<compile_context>
chip_gen: v7x
topology: tpu7x:2x2x1
jax: 0.10.2.dev20260603
libtpu: 0.0.44.dev20260713+nightly
codegen_flags: <defaults>
</compile_context>

<pallas_src>
import functools
import math

import jax
import jax.numpy as jnp
from jax import lax
from jax.experimental import pallas as pl
from jax.experimental.pallas import tpu as pltpu
from jax.experimental.pallas import tpu_sc as plsc

VOCAB = 30522
H = 768
S = 512
B = 64
NC = 2
NS = 16
NW = NC * NS
SPW = S // NW
CH = 16
NCH = SPW * (B // CH)
NBUF = 8
DEPTH = 4
BS = 32
EPS = 1e-12
SQRT_H = math.sqrt(float(H))


@functools.partial(
    pl.kernel,
    out_type=jax.ShapeDtypeStruct((S, B, H), jnp.float32),
    mesh=plsc.VectorSubcoreMesh(core_axis_name="c", subcore_axis_name="s"),
    scratch_types=(
        [pltpu.VMEM((SPW, B), jnp.int32)]
        + [pltpu.VMEM((CH, H), jnp.float32) for _ in range(NBUF)]
        + [pltpu.SemaphoreType.DMA for _ in range(2 * NBUF)]
    ),
    compiler_params=pltpu.CompilerParams(needs_layout_passes=False),
)
def _gather_kernel(xt, word, out, idx_v, *rest):
    bufs = rest[:NBUF]
    gsems = rest[NBUF:2 * NBUF]
    ssems = rest[2 * NBUF:]
    w = lax.axis_index("s") * NC + lax.axis_index("c")
    s0 = w * SPW

    pltpu.sync_copy(xt.at[pl.ds(s0, SPW)], idx_v)

    def _idx_ref(c):
        return idx_v.at[lax.div(c, B // CH), pl.ds(lax.rem(c, B // CH) * CH, CH)]

    def _out_ref(c):
        return out.at[s0 + lax.div(c, B // CH),
                      pl.ds(lax.rem(c, B // CH) * CH, CH)]

    for c in range(DEPTH):
        pltpu.async_copy(word.at[_idx_ref(c)], bufs[c], gsems[c])

    def _giter(g, _):
        for par in range(NBUF):
            c = g * NBUF + par
            buf = bufs[par]
            nxt = (par + DEPTH) % NBUF

            @pl.when(c + DEPTH < NCH)
            def _():
                @pl.when(c >= NBUF - DEPTH)
                def _():
                    pltpu.make_async_copy(bufs[nxt], _out_ref(0),
                                          ssems[nxt]).wait()

                pltpu.async_copy(word.at[_idx_ref(c + DEPTH)], bufs[nxt],
                                 gsems[nxt])

            pltpu.make_async_copy(word.at[pl.ds(0, CH)], buf,
                                  gsems[par]).wait()
            pltpu.async_copy(buf, _out_ref(c), ssems[par])
        return 0

    lax.fori_loop(0, NCH // NBUF, _giter, 0)
    for p in range(NBUF):
        pltpu.make_async_copy(bufs[p], _out_ref(0), ssems[p]).wait()


def _ln_body(scr, pos, typ, gamma, beta, out):
    e = scr[...] + pos[...][:, None, :] + typ[...][0][None, None, :]
    sum1 = jnp.sum(e, axis=-1, keepdims=True)
    sum2 = jnp.sum(e * e, axis=-1, keepdims=True)
    mean = sum1 * (1.0 / H)
    var = sum2 * (1.0 / H) - mean * mean
    a = lax.rsqrt(var + EPS)
    g = gamma[...][0] * SQRT_H
    b = beta[...][0] * SQRT_H
    out[...] = (e * a - mean * a) * g + b


_ln_kernel = pl.pallas_call(
    _ln_body,
    grid=(S // BS,),
    in_specs=[
        pl.BlockSpec((BS, B, H), lambda i: (i, 0, 0)),
        pl.BlockSpec((BS, H), lambda i: (i, 0)),
        pl.BlockSpec((2, H), lambda i: (0, 0)),
        pl.BlockSpec((1, H), lambda i: (0, 0)),
        pl.BlockSpec((1, H), lambda i: (0, 0)),
    ],
    out_specs=pl.BlockSpec((BS, B, H), lambda i: (i, 0, 0)),
    out_shape=jax.ShapeDtypeStruct((S, B, H), jnp.float32),
    compiler_params=pltpu.CompilerParams(
        dimension_semantics=("arbitrary",),
    ),
)


def kernel(x, word_emb, pos_emb, type_emb, ln_gamma, ln_beta):
    gathered = _gather_kernel(x.T, word_emb)
    return _ln_kernel(gathered, pos_emb, type_emb,
                      ln_gamma.reshape(1, H), ln_beta.reshape(1, H))

# --- scband reference (transcript-rebuilt; emitter-appended) ---
"""Pipeline reference for scband-bert-text-embedding-13400297963730 (READ-ONLY COPY).

The authoritative reference and input builder live on the scoring server;
editing this copy changes nothing except your own understanding.
"""

import jax, jax.numpy as jnp
import numpy as np
import math

VOCAB = 30522
HIDDEN = 768
MAX_POS = 512
TYPE_VOCAB = 2
EPS = 1e-12


def setup_inputs(seed: int = 0) -> dict:
    key = jax.random.key(seed)
    k1, k2, k3, k4 = jax.random.split(key, 4)
    x = jax.random.randint(k1, (64, 512), 0, VOCAB, dtype=jnp.int32)
    word_emb = jax.random.normal(k2, (VOCAB, HIDDEN), dtype=jnp.float32) * 0.02
    pos_emb = jax.random.normal(k3, (MAX_POS, HIDDEN), dtype=jnp.float32) * 0.02
    type_emb = jax.random.normal(k4, (TYPE_VOCAB, HIDDEN), dtype=jnp.float32) * 0.02
    ln_gamma = jnp.ones((HIDDEN,), dtype=jnp.float32)
    ln_beta = jnp.zeros((HIDDEN,), dtype=jnp.float32)
    return {
        "x": x,
        "word_emb": word_emb,
        "pos_emb": pos_emb,
        "type_emb": type_emb,
        "ln_gamma": ln_gamma,
        "ln_beta": ln_beta,
    }


def reference(x, word_emb, pos_emb, type_emb, ln_gamma, ln_beta):
    # Faithful translation of BertModel.embeddings (eval mode, token_type_ids=0):
    #   word_embeddings[input_ids] + position_embeddings[0:S] + token_type_embeddings[0]
    #   -> LayerNorm(eps=1e-12) -> (dropout is identity in eval)
    # then x *= sqrt(hidden_size); return x.transpose(0, 1)
    B, S = x.shape
    we = jnp.take(word_emb, x, axis=0)              # gather [B, S, H]
    pe = pos_emb[:S][None, :, :]                     # [1, S, H]
    te = type_emb[0][None, None, :]                  # [1, 1, H]
    e = we + pe + te
    mean = jnp.mean(e, axis=-1, keepdims=True)
    var = jnp.mean(jnp.square(e - mean), axis=-1, keepdims=True)
    h = (e - mean) / jnp.sqrt(var + EPS)
    h = h * ln_gamma + ln_beta
    h = h * math.sqrt(float(HIDDEN))
    return jnp.transpose(h, (1, 0, 2))               # [S, B, H]

if __name__ == "__main__":
    import jax
    _d = setup_inputs()
    print(jax.jit(kernel)(*tuple(_d.values())))

</pallas_src>

<mosaic_0001>
#map = affine_map<(d0, d1) -> (0, 0)>
#map1 = affine_map<(d0, d1) -> (0, 0, 0)>
module attributes {stable_mosaic.version = 14 : i64} {
  func.func @_gather_kernel(%arg0: i32, %arg1: i32, %arg2: memref<512x64xi32, #tpu.memory_space<hbm>>, %arg3: memref<30522x768xf32, #tpu.memory_space<hbm>>, %arg4: memref<512x64x768xf32, #tpu.memory_space<hbm>>, %arg5: memref<16x64xi32, #tpu.memory_space<vmem>>, %arg6: memref<16x768xf32, #tpu.memory_space<vmem>>, %arg7: memref<16x768xf32, #tpu.memory_space<vmem>>, %arg8: memref<16x768xf32, #tpu.memory_space<vmem>>, %arg9: memref<16x768xf32, #tpu.memory_space<vmem>>, %arg10: memref<16x768xf32, #tpu.memory_space<vmem>>, %arg11: memref<16x768xf32, #tpu.memory_space<vmem>>, %arg12: memref<16x768xf32, #tpu.memory_space<vmem>>, %arg13: memref<16x768xf32, #tpu.memory_space<vmem>>, %arg14: memref<!tpu.dma_semaphore, #tpu.memory_space<semaphore_mem>>, %arg15: memref<!tpu.dma_semaphore, #tpu.memory_space<semaphore_mem>>, %arg16: memref<!tpu.dma_semaphore, #tpu.memory_space<semaphore_mem>>, %arg17: memref<!tpu.dma_semaphore, #tpu.memory_space<semaphore_mem>>, %arg18: memref<!tpu.dma_semaphore, #tpu.memory_space<semaphore_mem>>, %arg19: memref<!tpu.dma_semaphore, #tpu.memory_space<semaphore_mem>>, %arg20: memref<!tpu.dma_semaphore, #tpu.memory_space<semaphore_mem>>, %arg21: memref<!tpu.dma_semaphore, #tpu.memory_space<semaphore_mem>>, %arg22: memref<!tpu.dma_semaphore, #tpu.memory_space<semaphore_mem>>, %arg23: memref<!tpu.dma_semaphore, #tpu.memory_space<semaphore_mem>>, %arg24: memref<!tpu.dma_semaphore, #tpu.memory_space<semaphore_mem>>, %arg25: memref<!tpu.dma_semaphore, #tpu.memory_space<semaphore_mem>>, %arg26: memref<!tpu.dma_semaphore, #tpu.memory_space<semaphore_mem>>, %arg27: memref<!tpu.dma_semaphore, #tpu.memory_space<semaphore_mem>>, %arg28: memref<!tpu.dma_semaphore, #tpu.memory_space<semaphore_mem>>, %arg29: memref<!tpu.dma_semaphore, #tpu.memory_space<semaphore_mem>>) attributes {dimension_semantics = [#tpu.dimension_semantics<core_parallel>, #tpu.dimension_semantics<subcore_parallel>], iteration_bounds = array<i64: 2, 16>, scalar_prefetch = 0 : i64, scratch_operands = 25 : i64, tpu.core_type = #tpu.core_type<sc_vector_subcore>, window_params = [{transform_indices = #map}, {transform_indices = #map}, {transform_indices = #map1}]} {
    %mul3A = arith.constant 2 : i32
    %mul3A_0 = arith.muli %arg1, %mul3A : i32
    %add3A = arith.addi %mul3A_0, %arg0 : i32
    %mul3A_1 = arith.constant 16 : i32
    %mul3A_2 = arith.muli %add3A, %mul3A_1 : i32
    "tpu.region"() ({
      %run_scoped3A = tpu.sem_alloc : memref<!tpu.dma_semaphore, #tpu.memory_space<semaphore_mem>>
      %dma_start3A_177 = arith.constant 0 : i32
      %dma_start3A_178 = tpu.memref_slice %arg2[%mul3A_2, %dma_start3A_177] : memref<512x64xi32, #tpu.memory_space<hbm>> -> memref<16x64xi32, #tpu.memory_space<hbm>>
      %dma_start3A_179 = arith.constant 0 : i32
      %dma_start3A_180 = tpu.memref_slice %arg2[%mul3A_2, %dma_start3A_179] : memref<512x64xi32, #tpu.memory_space<hbm>> -> memref<16x64xi32, #tpu.memory_space<hbm>>
      tpu.enqueue_dma source(%dma_start3A_180 : memref<16x64xi32, #tpu.memory_space<hbm>>) target(%arg5 : memref<16x64xi32, #tpu.memory_space<vmem>>) target_semaphore(%run_scoped3A : memref<!tpu.dma_semaphore, #tpu.memory_space<semaphore_mem>>)
      %dma_wait3A_181 = arith.constant 0 : i32
      %dma_wait3A_182 = tpu.memref_slice %arg2[%mul3A_2, %dma_wait3A_181] : memref<512x64xi32, #tpu.memory_space<hbm>> -> memref<16x64xi32, #tpu.memory_space<hbm>>
      %dma_wait3A_183 = arith.constant 0 : i32
      %dma_wait3A_184 = tpu.memref_slice %arg2[%mul3A_2, %dma_wait3A_183] : memref<512x64xi32, #tpu.memory_space<hbm>> -> memref<16x64xi32, #tpu.memory_space<hbm>>
      tpu.wait_dma2 semaphore(%run_scoped3A : memref<!tpu.dma_semaphore, #tpu.memory_space<semaphore_mem>>) src(%dma_wait3A_184 : memref<16x64xi32, #tpu.memory_space<hbm>>) dst(%arg5 : memref<16x64xi32, #tpu.memory_space<vmem>>)
      tpu.yield
    }) : () -> ()
    %div3A = arith.constant 0 : i32
    %div3A_3 = arith.constant 4 : i32
    %div3A_4 = arith.divsi %div3A, %div3A_3 : i32
    %rem3A = arith.constant 0 : i32
    %rem3A_5 = arith.constant 4 : i32
    %rem3A_6 = arith.remsi %rem3A, %rem3A_5 : i32
    %mul3A_7 = arith.constant 16 : i32
    %mul3A_8 = arith.muli %rem3A_6, %mul3A_7 : i32
    %dma_start3A = tpu.memref_slice %arg5[%div3A_4, %mul3A_8] : memref<16x64xi32, #tpu.memory_space<vmem>> -> memref<1x16xi32, #tpu.memory_space<vmem>>
    %dma_start3A_9 = tpu.memref_squeeze %dma_start3A : memref<1x16xi32, #tpu.memory_space<vmem>> -> memref<16xi32, #tpu.memory_space<vmem>>
    %dma_start3A_10 = arith.constant 0 : i32
    %dma_start3A_11 = arith.constant 0 : i32
    %dma_start3A_12 = tpu.memref_slice %arg3[%dma_start3A_10, %dma_start3A_11] : memref<30522x768xf32, #tpu.memory_space<hbm>> -> memref<30522x768xf32, #tpu.memory_space<hbm>>
    tpu.enqueue_indirect_dma source(%dma_start3A_12 : memref<30522x768xf32, #tpu.memory_space<hbm>>) target(%arg6 : memref<16x768xf32, #tpu.memory_space<vmem>>) offsets(%dma_start3A_9 : memref<16xi32, #tpu.memory_space<vmem>>) semaphore(%arg14 : memref<!tpu.dma_semaphore, #tpu.memory_space<semaphore_mem>>)
    %div3A_13 = arith.constant 1 : i32
    %div3A_14 = arith.constant 4 : i32
    %div3A_15 = arith.divsi %div3A_13, %div3A_14 : i32
    %rem3A_16 = arith.constant 1 : i32
    %rem3A_17 = arith.constant 4 : i32
    %rem3A_18 = arith.remsi %rem3A_16, %rem3A_17 : i32
    %mul3A_19 = arith.constant 16 : i32
    %mul3A_20 = arith.muli %rem3A_18, %mul3A_19 : i32
    %dma_start3A_21 = tpu.memref_slice %arg5[%div3A_15, %mul3A_20] : memref<16x64xi32, #tpu.memory_space<vmem>> -> memref<1x16xi32, #tpu.memory_space<vmem>>
    %dma_start3A_22 = tpu.memref_squeeze %dma_start3A_21 : memref<1x16xi32, #tpu.memory_space<vmem>> -> memref<16xi32, #tpu.memory_space<vmem>>
    %dma_start3A_23 = arith.constant 0 : i32
    %dma_start3A_24 = arith.constant 0 : i32
    %dma_start3A_25 = tpu.memref_slice %arg3[%dma_start3A_23, %dma_start3A_24] : memref<30522x768xf32, #tpu.memory_space<hbm>> -> memref<30522x768xf32, #tpu.memory_space<hbm>>
    tpu.enqueue_indirect_dma source(%dma_start3A_25 : memref<30522x768xf32, #tpu.memory_space<hbm>>) target(%arg7 : memref<16x768xf32, #tpu.memory_space<vmem>>) offsets(%dma_start3A_22 : memref<16xi32, #tpu.memory_space<vmem>>) semaphore(%arg15 : memref<!tpu.dma_semaphore, #tpu.memory_space<semaphore_mem>>)
    %div3A_26 = arith.constant 2 : i32
    %div3A_27 = arith.constant 4 : i32
    %div3A_28 = arith.divsi %div3A_26, %div3A_27 : i32
    %rem3A_29 = arith.constant 2 : i32
    %rem3A_30 = arith.constant 4 : i32
    %rem3A_31 = arith.remsi %rem3A_29, %rem3A_30 : i32
    %mul3A_32 = arith.constant 16 : i32
    %mul3A_33 = arith.muli %rem3A_31, %mul3A_32 : i32
    %dma_start3A_34 = tpu.memref_slice %arg5[%div3A_28, %mul3A_33] : memref<16x64xi32, #tpu.memory_space<vmem>> -> memref<1x16xi32, #tpu.memory_space<vmem>>
    %dma_start3A_35 = tpu.memref_squeeze %dma_start3A_34 : memref<1x16xi32, #tpu.memory_space<vmem>> -> memref<16xi32, #tpu.memory_space<vmem>>
    %dma_start3A_36 = arith.constant 0 : i32
    %dma_start3A_37 = arith.constant 0 : i32
    %dma_start3A_38 = tpu.memref_slice %arg3[%dma_start3A_36, %dma_start3A_37] : memref<30522x768xf32, #tpu.memory_space<hbm>> -> memref<30522x768xf32, #tpu.memory_space<hbm>>
    tpu.enqueue_indirect_dma source(%dma_start3A_38 : memref<30522x768xf32, #tpu.memory_space<hbm>>) target(%arg8 : memref<16x768xf32, #tpu.memory_space<vmem>>) offsets(%dma_start3A_35 : memref<16xi32, #tpu.memory_space<vmem>>) semaphore(%arg16 : memref<!tpu.dma_semaphore, #tpu.memory_space<semaphore_mem>>)
    %div3A_39 = arith.constant 3 : i32
    %div3A_40 = arith.constant 4 : i32
    %div3A_41 = arith.divsi %div3A_39, %div3A_40 : i32
    %rem3A_42 = arith.constant 3 : i32
    %rem3A_43 = arith.constant 4 : i32
    %rem3A_44 = arith.remsi %rem3A_42, %rem3A_43 : i32
    %mul3A_45 = arith.constant 16 : i32
    %mul3A_46 = arith.muli %rem3A_44, %mul3A_45 : i32
    %dma_start3A_47 = tpu.memref_slice %arg5[%div3A_41, %mul3A_46] : memref<16x64xi32, #tpu.memory_space<vmem>> -> memref<1x16xi32, #tpu.memory_space<vmem>>
    %dma_start3A_48 = tpu.memref_squeeze %dma_start3A_47 : memref<1x16xi32, #tpu.memory_space<vmem>> -> memref<16xi32, #tpu.memory_space<vmem>>
    %dma_start3A_49 = arith.constant 0 : i32
    %dma_start3A_50 = arith.constant 0 : i32
    %dma_start3A_51 = tpu.memref_slice %arg3[%dma_start3A_49, %dma_start3A_50] : memref<30522x768xf32, #tpu.memory_space<hbm>> -> memref<30522x768xf32, #tpu.memory_space<hbm>>
    tpu.enqueue_indirect_dma source(%dma_start3A_51 : memref<30522x768xf32, #tpu.memory_space<hbm>>) target(%arg9 : memref<16x768xf32, #tpu.memory_space<vmem>>) offsets(%dma_start3A_48 : memref<16xi32, #tpu.memory_space<vmem>>) semaphore(%arg17 : memref<!tpu.dma_semaphore, #tpu.memory_space<semaphore_mem>>)
    %scan3A = arith.constant 0 : i32
    %scan3A_52 = arith.constant 0 : i32
    %scan3A_53 = arith.constant 8 : i32
    %scan3A_54 = arith.addi %scan3A_52, %scan3A_53 : i32
    %scan3A_55 = arith.constant 1 : i32
    %scan3A_56 = scf.for %scan3A_177 = %scan3A_52 to %scan3A_54 step %scan3A_55 iter_args(%scan3A_178 = %scan3A) -> (i32)  : i32 {
      %mul3A_179 = arith.constant 8 : i32
      %mul3A_180 = arith.muli %scan3A_177, %mul3A_179 : i32
      %add3A_181 = arith.constant 0 : i32
      %add3A_182 = arith.addi %mul3A_180, %add3A_181 : i32
      %add3A_183 = arith.constant 4 : i32
      %add3A_184 = arith.addi %add3A_182, %add3A_183 : i32
      %lt3A = arith.constant 64 : i32
      %lt3A_185 = arith.cmpi slt, %add3A_184, %lt3A : i32
      %convert_element_type3A = arith.extui %lt3A_185 : i1 to i32
      %cond3A = arith.constant 0 : i32
      %cond3A_186 = arith.cmpi ne, %convert_element_type3A, %cond3A : i32
      scf.if %cond3A_186 {
        %ge3A = arith.constant 4 : i32
        %ge3A_417 = arith.cmpi sge, %add3A_182, %ge3A : i32
        %convert_element_type3A_418 = arith.extui %ge3A_417 : i1 to i32
        %cond3A_419 = arith.constant 0 : i32
        %cond3A_420 = arith.cmpi ne, %convert_element_type3A_418, %cond3A_419 : i32
        scf.if %cond3A_420 {
          %div3A_434 = arith.constant 0 : i32
          %div3A_435 = arith.constant 4 : i32
          %div3A_436 = arith.divsi %div3A_434, %div3A_435 : i32
          %add3A_437 = arith.addi %mul3A_2, %div3A_436 : i32
          %rem3A_438 = arith.constant 0 : i32
          %rem3A_439 = arith.constant 4 : i32
          %rem3A_440 = arith.remsi %rem3A_438, %rem3A_439 : i32
          %mul3A_441 = arith.constant 16 : i32
          %mul3A_442 = arith.muli %rem3A_440, %mul3A_441 : i32
          %dma_wait3A_443 = arith.constant 0 : i32
          %dma_wait3A_444 = tpu.memref_slice %arg4[%add3A_437, %mul3A_442, %dma_wait3A_443] : memref<512x64x768xf32, #tpu.memory_space<hbm>> -> memref<1x16x768xf32, #tpu.memory_space<hbm>>
          %dma_wait3A_445 = tpu.memref_squeeze %dma_wait3A_444 : memref<1x16x768xf32, #tpu.memory_space<hbm>> -> memref<16x768xf32, #tpu.memory_space<hbm>>
          %dma_wait3A_446 = arith.constant 0 : i32
          %dma_wait3A_447 = tpu.memref_slice %arg4[%add3A_437, %mul3A_442, %dma_wait3A_446] : memref<512x64x768xf32, #tpu.memory_space<hbm>> -> memref<1x16x768xf32, #tpu.memory_space<hbm>>
          %dma_wait3A_448 = tpu.memref_squeeze %dma_wait3A_447 : memref<1x16x768xf32, #tpu.memory_space<hbm>> -> memref<16x768xf32, #tpu.memory_space<hbm>>
          tpu.wait_dma2 semaphore(%arg26 : memref<!tpu.dma_semaphore, #tpu.memory_space<semaphore_mem>>) src(%arg10 : memref<16x768xf32, #tpu.memory_space<vmem>>) dst(%dma_wait3A_448 : memref<16x768xf32, #tpu.memory_space<hbm>>)
        } else {
        }
        %add3A_421 = arith.constant 4 : i32
        %add3A_422 = arith.addi %add3A_182, %add3A_421 : i32
        %div3A_423 = arith.constant 4 : i32
        %div3A_424 = arith.divsi %add3A_422, %div3A_423 : i32
        %rem3A_425 = arith.constant 4 : i32
        %rem3A_426 = arith.remsi %add3A_422, %rem3A_425 : i32
        %mul3A_427 = arith.constant 16 : i32
        %mul3A_428 = arith.muli %rem3A_426, %mul3A_427 : i32
        %dma_start3A_429 = tpu.memref_slice %arg5[%div3A_424, %mul3A_428] : memref<16x64xi32, #tpu.memory_space<vmem>> -> memref<1x16xi32, #tpu.memory_space<vmem>>
        %dma_start3A_430 = tpu.memref_squeeze %dma_start3A_429 : memref<1x16xi32, #tpu.memory_space<vmem>> -> memref<16xi32, #tpu.memory_space<vmem>>
        %dma_start3A_431 = arith.constant 0 : i32
        %dma_start3A_432 = arith.constant 0 : i32
        %dma_start3A_433 = tpu.memref_slice %arg3[%dma_start3A_431, %dma_start3A_432] : memref<30522x768xf32, #tpu.memory_space<hbm>> -> memref<30522x768xf32, #tpu.memory_space<hbm>>
        tpu.enqueue_indirect_dma source(%dma_start3A_433 : memref<30522x768xf32, #tpu.memory_space<hbm>>) target(%arg10 : memref<16x768xf32, #tpu.memory_space<vmem>>) offsets(%dma_start3A_430 : memref<16xi32, #tpu.memory_space<vmem>>) semaphore(%arg18 : memref<!tpu.dma_semaphore, #tpu.memory_space<semaphore_mem>>)
      } else {
      }
      %dma_wait3A_187 = arith.constant 0 : i32
      %dma_wait3A_188 = arith.constant 0 : i32
      %dma_wait3A_189 = tpu.memref_slice %arg3[%dma_wait3A_187, %dma_wait3A_188] : memref<30522x768xf32, #tpu.memory_space<hbm>> -> memref<16x768xf32, #tpu.memory_space<hbm>>
      %dma_wait3A_190 = arith.constant 0 : i32
      %dma_wait3A_191 = arith.constant 0 : i32
      %dma_wait3A_192 = tpu.memref_slice %arg3[%dma_wait3A_190, %dma_wait3A_191] : memref<30522x768xf32, #tpu.memory_space<hbm>> -> memref<16x768xf32, #tpu.memory_space<hbm>>
      tpu.wait_dma2 semaphore(%arg14 : memref<!tpu.dma_semaphore, #tpu.memory_space<semaphore_mem>>) src(%dma_wait3A_192 : memref<16x768xf32, #tpu.memory_space<hbm>>) dst(%arg6 : memref<16x768xf32, #tpu.memory_space<vmem>>)
      %div3A_193 = arith.constant 4 : i32
      %div3A_194 = arith.divsi %add3A_182, %div3A_193 : i32
      %add3A_195 = arith.addi %mul3A_2, %div3A_194 : i32
      %rem3A_196 = arith.constant 4 : i32
      %rem3A_197 = arith.remsi %add3A_182, %rem3A_196 : i32
      %mul3A_198 = arith.constant 16 : i32
      %mul3A_199 = arith.muli %rem3A_197, %mul3A_198 : i32
      %dma_start3A_200 = arith.constant 0 : i32
      %dma_start3A_201 = tpu.memref_slice %arg4[%add3A_195, %mul3A_199, %dma_start3A_200] : memref<512x64x768xf32, #tpu.memory_space<hbm>> -> memref<1x16x768xf32, #tpu.memory_space<hbm>>
      %dma_start3A_202 = tpu.memref_squeeze %dma_start3A_201 : memref<1x16x768xf32, #tpu.memory_space<hbm>> -> memref<16x768xf32, #tpu.memory_space<hbm>>
      %dma_start3A_203 = arith.constant 0 : i32
      %dma_start3A_204 = tpu.memref_slice %arg4[%add3A_195, %mul3A_199, %dma_start3A_203] : memref<512x64x768xf32, #tpu.memory_space<hbm>> -> memref<1x16x768xf32, #tpu.memory_space<hbm>>
      %dma_start3A_205 = tpu.memref_squeeze %dma_start3A_204 : memref<1x16x768xf32, #tpu.memory_space<hbm>> -> memref<16x768xf32, #tpu.memory_space<hbm>>
      tpu.enqueue_dma source(%arg6 : memref<16x768xf32, #tpu.memory_space<vmem>>) target(%dma_start3A_205 : memref<16x768xf32, #tpu.memory_space<hbm>>) target_semaphore(%arg22 : memref<!tpu.dma_semaphore, #tpu.memory_space<semaphore_mem>>)
      %mul3A_206 = arith.constant 8 : i32
      %mul3A_207 = arith.muli %scan3A_177, %mul3A_206 : i32
      %add3A_208 = arith.constant 1 : i32
      %add3A_209 = arith.addi %mul3A_207, %add3A_208 : i32
      %add3A_210 = arith.constant 4 : i32
      %add3A_211 = arith.addi %add3A_209, %add3A_210 : i32
      %lt3A_212 = arith.constant 64 : i32
      %lt3A_213 = arith.cmpi slt, %add3A_211, %lt3A_212 : i32
      %convert_element_type3A_214 = arith.extui %lt3A_213 : i1 to i32
      %cond3A_215 = arith.constant 0 : i32
      %cond3A_216 = arith.cmpi ne, %convert_element_type3A_214, %cond3A_215 : i32
      scf.if %cond3A_216 {
        %ge3A = arith.constant 4 : i32
        %ge3A_417 = arith.cmpi sge, %add3A_209, %ge3A : i32
        %convert_element_type3A_418 = arith.extui %ge3A_417 : i1 to i32
        %cond3A_419 = arith.constant 0 : i32
        %cond3A_420 = arith.cmpi ne, %convert_element_type3A_418, %cond3A_419 : i32
        scf.if %cond3A_420 {
          %div3A_434 = arith.constant 0 : i32
          %div3A_435 = arith.constant 4 : i32
          %div3A_436 = arith.divsi %div3A_434, %div3A_435 : i32
          %add3A_437 = arith.addi %mul3A_2, %div3A_436 : i32
          %rem3A_438 = arith.constant 0 : i32
          %rem3A_439 = arith.constant 4 : i32
          %rem3A_440 = arith.remsi %rem3A_438, %rem3A_439 : i32
          %mul3A_441 = arith.constant 16 : i32
          %mul3A_442 = arith.muli %rem3A_440, %mul3A_441 : i32
          %dma_wait3A_443 = arith.constant 0 : i32
          %dma_wait3A_444 = tpu.memref_slice %arg4[%add3A_437, %mul3A_442, %dma_wait3A_443] : memref<512x64x768xf32, #tpu.memory_space<hbm>> -> memref<1x16x768xf32, #tpu.memory_space<hbm>>
          %dma_wait3A_445 = tpu.memref_squeeze %dma_wait3A_444 : memref<1x16x768xf32, #tpu.memory_space<hbm>> -> memref<16x768xf32, #tpu.memory_space<hbm>>
          %dma_wait3A_446 = arith.constant 0 : i32
          %dma_wait3A_447 = tpu.memref_slice %arg4[%add3A_437, %mul3A_442, %dma_wait3A_446] : memref<512x64x768xf32, #tpu.memory_space<hbm>> -> memref<1x16x768xf32, #tpu.memory_space<hbm>>
          %dma_wait3A_448 = tpu.memref_squeeze %dma_wait3A_447 : memref<1x16x768xf32, #tpu.memory_space<hbm>> -> memref<16x768xf32, #tpu.memory_space<hbm>>
          tpu.wait_dma2 semaphore(%arg27 : memref<!tpu.dma_semaphore, #tpu.memory_space<semaphore_mem>>) src(%arg11 : memref<16x768xf32, #tpu.memory_space<vmem>>) dst(%dma_wait3A_448 : memref<16x768xf32, #tpu.memory_space<hbm>>)
        } else {
        }
        %add3A_421 = arith.constant 4 : i32
        %add3A_422 = arith.addi %add3A_209, %add3A_421 : i32
        %div3A_423 = arith.constant 4 : i32
        %div3A_424 = arith.divsi %add3A_422, %div3A_423 : i32
        %rem3A_425 = arith.constant 4 : i32
        %rem3A_426 = arith.remsi %add3A_422, %rem3A_425 : i32
        %mul3A_427 = arith.constant 16 : i32
        %mul3A_428 = arith.muli %rem3A_426, %mul3A_427 : i32
        %dma_start3A_429 = tpu.memref_slice %arg5[%div3A_424, %mul3A_428] : memref<16x64xi32, #tpu.memory_space<vmem>> -> memref<1x16xi32, #tpu.memory_space<vmem>>
        %dma_start3A_430 = tpu.memref_squeeze %dma_start3A_429 : memref<1x16xi32, #tpu.memory_space<vmem>> -> memref<16xi32, #tpu.memory_space<vmem>>
        %dma_start3A_431 = arith.constant 0 : i32
        %dma_start3A_432 = arith.constant 0 : i32
        %dma_start3A_433 = tpu.memref_slice %arg3[%dma_start3A_431, %dma_start3A_432] : memref<30522x768xf32, #tpu.memory_space<hbm>> -> memref<30522x768xf32, #tpu.memory_space<hbm>>
        tpu.enqueue_indirect_dma source(%dma_start3A_433 : memref<30522x768xf32, #tpu.memory_space<hbm>>) target(%arg11 : memref<16x768xf32, #tpu.memory_space<vmem>>) offsets(%dma_start3A_430 : memref<16xi32, #tpu.memory_space<vmem>>) semaphore(%arg19 : memref<!tpu.dma_semaphore, #tpu.memory_space<semaphore_mem>>)
      } else {
      }
      %dma_wait3A_217 = arith.constant 0 : i32
      %dma_wait3A_218 = arith.constant 0 : i32
      %dma_wait3A_219 = tpu.memref_slice %arg3[%dma_wait3A_217, %dma_wait3A_218] : memref<30522x768xf32, #tpu.memory_space<hbm>> -> memref<16x768xf32, #tpu.memory_space<hbm>>
      %dma_wait3A_220 = arith.constant 0 : i32
      %dma_wait3A_221 = arith.constant 0 : i32
      %dma_wait3A_222 = tpu.memref_slice %arg3[%dma_wait3A_220, %dma_wait3A_221] : memref<30522x768xf32, #tpu.memory_space<hbm>> -> memref<16x768xf32, #tpu.memory_space<hbm>>
      tpu.wait_dma2 semaphore(%arg15 : memref<!tpu.dma_semaphore, #tpu.memory_space<semaphore_mem>>) src(%dma_wait3A_222 : memref<16x768xf32, #tpu.memory_space<hbm>>) dst(%arg7 : memref<16x768xf32, #tpu.memory_space<vmem>>)
      %div3A_223 = arith.constant 4 : i32
      %div3A_224 = arith.divsi %add3A_209, %div3A_223 : i32
      %add3A_225 = arith.addi %mul3A_2, %div3A_224 : i32
      %rem3A_226 = arith.constant 4 : i32
      %rem3A_227 = arith.remsi %add3A_209, %rem3A_226 : i32
      %mul3A_228 = arith.constant 16 : i32
      %mul3A_229 = arith.muli %rem3A_227, %mul3A_228 : i32
      %dma_start3A_230 = arith.constant 0 : i32
      %dma_start3A_231 = tpu.memref_slice %arg4[%add3A_225, %mul3A_229, %dma_start3A_230] : memref<512x64x768xf32, #tpu.memory_space<hbm>> -> memref<1x16x768xf32, #tpu.memory_space<hbm>>
      %dma_start3A_232 = tpu.memref_squeeze %dma_start3A_231 : memref<1x16x768xf32, #tpu.memory_space<hbm>> -> memref<16x768xf32, #tpu.memory_space<hbm>>
      %dma_start3A_233 = arith.constant 0 : i32
      %dma_start3A_234 = tpu.memref_slice %arg4[%add3A_225, %mul3A_229, %dma_start3A_233] : memref<512x64x768xf32, #tpu.memory_space<hbm>> -> memref<1x16x768xf32, #tpu.memory_space<hbm>>
      %dma_start3A_235 = tpu.memref_squeeze %dma_start3A_234 : memref<1x16x768xf32, #tpu.memory_space<hbm>> -> memref<16x768xf32, #tpu.memory_space<hbm>>
      tpu.enqueue_dma source(%arg7 : memref<16x768xf32, #tpu.memory_space<vmem>>) target(%dma_start3A_235 : memref<16x768xf32, #tpu.memory_space<hbm>>) target_semaphore(%arg23 : memref<!tpu.dma_semaphore, #tpu.memory_space<semaphore_mem>>)
      %mul3A_236 = arith.constant 8 : i32
      %mul3A_237 = arith.muli %scan3A_177, %mul3A_236 : i32
      %add3A_238 = arith.constant 2 : i32
      %add3A_239 = arith.addi %mul3A_237, %add3A_238 : i32
      %add3A_240 = arith.constant 4 : i32
      %add3A_241 = arith.addi %add3A_239, %add3A_240 : i32
      %lt3A_242 = arith.constant 64 : i32
      %lt3A_243 = arith.cmpi slt, %add3A_241, %lt3A_242 : i32
      %convert_element_type3A_244 = arith.extui %lt3A_243 : i1 to i32
      %cond3A_245 = arith.constant 0 : i32
      %cond3A_246 = arith.cmpi ne, %convert_element_type3A_244, %cond3A_245 : i32
      scf.if %cond3A_246 {
        %ge3A = arith.constant 4 : i32
        %ge3A_417 = arith.cmpi sge, %add3A_239, %ge3A : i32
        %convert_element_type3A_418 = arith.extui %ge3A_417 : i1 to i32
        %cond3A_419 = arith.constant 0 : i32
        %cond3A_420 = arith.cmpi ne, %convert_element_type3A_418, %cond3A_419 : i32
        scf.if %cond3A_420 {
          %div3A_434 = arith.constant 0 : i32
          %div3A_435 = arith.constant 4 : i32
          %div3A_436 = arith.divsi %div3A_434, %div3A_435 : i32
          %add3A_437 = arith.addi %mul3A_2, %div3A_436 : i32
          %rem3A_438 = arith.constant 0 : i32
          %rem3A_439 = arith.constant 4 : i32
          %rem3A_440 = arith.remsi %rem3A_438, %rem3A_439 : i32
          %mul3A_441 = arith.constant 16 : i32
          %mul3A_442 = arith.muli %rem3A_440, %mul3A_441 : i32
          %dma_wait3A_443 = arith.constant 0 : i32
          %dma_wait3A_444 = tpu.memref_slice %arg4[%add3A_437, %mul3A_442, %dma_wait3A_443] : memref<512x64x768xf32, #tpu.memory_space<hbm>> -> memref<1x16x768xf32, #tpu.memory_space<hbm>>
          %dma_wait3A_445 = tpu.memref_squeeze %dma_wait3A_444 : memref<1x16x768xf32, #tpu.memory_space<hbm>> -> memref<16x768xf32, #tpu.memory_space<hbm>>
          %dma_wait3A_446 = arith.constant 0 : i32
          %dma_wait3A_447 = tpu.memref_slice %arg4[%add3A_437, %mul3A_442, %dma_wait3A_446] : memref<512x64x768xf32, #tpu.memory_space<hbm>> -> memref<1x16x768xf32, #tpu.memory_space<hbm>>
          %dma_wait3A_448 = tpu.memref_squeeze %dma_wait3A_447 : memref<1x16x768xf32, #tpu.memory_space<hbm>> -> memref<16x768xf32, #tpu.memory_space<hbm>>
          tpu.wait_dma2 semaphore(%arg28 : memref<!tpu.dma_semaphore, #tpu.memory_space<semaphore_mem>>) src(%arg12 : memref<16x768xf32, #tpu.memory_space<vmem>>) dst(%dma_wait3A_448 : memref<16x768xf32, #tpu.memory_space<hbm>>)
        } else {
        }
        %add3A_421 = arith.constant 4 : i32
        %add3A_422 = arith.addi %add3A_239, %add3A_421 : i32
        %div3A_423 = arith.constant 4 : i32
        %div3A_424 = arith.divsi %add3A_422, %div3A_423 : i32
        %rem3A_425 = arith.constant 4 : i32
        %rem3A_426 = arith.remsi %add3A_422, %rem3A_425 : i32
        %mul3A_427 = arith.constant 16 : i32
        %mul3A_428 = arith.muli %rem3A_426, %mul3A_427 : i32
        %dma_start3A_429 = tpu.memref_slice %arg5[%div3A_424, %mul3A_428] : memref<16x64xi32, #tpu.memory_space<vmem>> -> memref<1x16xi32, #tpu.memory_space<vmem>>
        %dma_start3A_430 = tpu.memref_squeeze %dma_start3A_429 : memref<1x16xi32, #tpu.memory_space<vmem>> -> memref<16xi32, #tpu.memory_space<vmem>>
        %dma_start3A_431 = arith.constant 0 : i32
        %dma_start3A_432 = arith.constant 0 : i32
        %dma_start3A_433 = tpu.memref_slice %arg3[%dma_start3A_431, %dma_start3A_432] : memref<30522x768xf32, #tpu.memory_space<hbm>> -> memref<30522x768xf32, #tpu.memory_space<hbm>>
        tpu.enqueue_indirect_dma source(%dma_start3A_433 : memref<30522x768xf32, #tpu.memory_space<hbm>>) target(%arg12 : memref<16x768xf32, #tpu.memory_space<vmem>>) offsets(%dma_start3A_430 : memref<16xi32, #tpu.memory_space<vmem>>) semaphore(%arg20 : memref<!tpu.dma_semaphore, #tpu.memory_space<semaphore_mem>>)
      } else {
      }
      %dma_wait3A_247 = arith.constant 0 : i32
      %dma_wait3A_248 = arith.constant 0 : i32
      %dma_wait3A_249 = tpu.memref_slice %arg3[%dma_wait3A_247, %dma_wait3A_248] : memref<30522x768xf32, #tpu.memory_space<hbm>> -> memref<16x768xf32, #tpu.memory_space<hbm>>
      %dma_wait3A_250 = arith.constant 0 : i32
      %dma_wait3A_251 = arith.constant 0 : i32
      %dma_wait3A_252 = tpu.memref_slice %arg3[%dma_wait3A_250, %dma_wait3A_251] : memref<30522x768xf32, #tpu.memory_space<hbm>> -> memref<16x768xf32, #tpu.memory_space<hbm>>
      tpu.wait_dma2 semaphore(%arg16 : memref<!tpu.dma_semaphore, #tpu.memory_space<semaphore_mem>>) src(%dma_wait3A_252 : memref<16x768xf32, #tpu.memory_space<hbm>>) dst(%arg8 : memref<16x768xf32, #tpu.memory_space<vmem>>)
      %div3A_253 = arith.constant 4 : i32
      %div3A_254 = arith.divsi %add3A_239, %div3A_253 : i32
      %add3A_255 = arith.addi %mul3A_2, %div3A_254 : i32
      %rem3A_256 = arith.constant 4 : i32
      %rem3A_257 = arith.remsi %add3A_239, %rem3A_256 : i32
      %mul3A_258 = arith.constant 16 : i32
      %mul3A_259 = arith.muli %rem3A_257, %mul3A_258 : i32
      %dma_start3A_260 = arith.constant 0 : i32
      %dma_start3A_261 = tpu.memref_slice %arg4[%add3A_255, %mul3A_259, %dma_start3A_260] : memref<512x64x768xf32, #tpu.memory_space<hbm>> -> memref<1x16x768xf32, #tpu.memory_space<hbm>>
      %dma_start3A_262 = tpu.memref_squeeze %dma_start3A_261 : memref<1x16x768xf32, #tpu.memory_space<hbm>> -> memref<16x768xf32, #tpu.memory_space<hbm>>
      %dma_start3A_263 = arith.constant 0 : i32
      %dma_start3A_264 = tpu.memref_slice %arg4[%add3A_255, %mul3A_259, %dma_start3A_263] : memref<512x64x768xf32, #tpu.memory_space<hbm>> -> memref<1x16x768xf32, #tpu.memory_space<hbm>>
      %dma_start3A_265 = tpu.memref_squeeze %dma_start3A_264 : memref<1x16x768xf32, #tpu.memory_space<hbm>> -> memref<16x768xf32, #tpu.memory_space<hbm>>
      tpu.enqueue_dma source(%arg8 : memref<16x768xf32, #tpu.memory_space<vmem>>) target(%dma_start3A_265 : memref<16x768xf32, #tpu.memory_space<hbm>>) target_semaphore(%arg24 : memref<!tpu.dma_semaphore, #tpu.memory_space<semaphore_mem>>)
      %mul3A_266 = arith.constant 8 : i32
      %mul3A_267 = arith.muli %scan3A_177, %mul3A_266 : i32
      %add3A_268 = arith.constant 3 : i32
      %add3A_269 = arith.addi %mul3A_267, %add3A_268 : i32
      %add3A_270 = arith.constant 4 : i32
      %add3A_271 = arith.addi %add3A_269, %add3A_270 : i32
      %lt3A_272 = arith.constant 64 : i32
      %lt3A_273 = arith.cmpi slt, %add3A_271, %lt3A_272 : i32
      %convert_element_type3A_274 = arith.extui %lt3A_273 : i1 to i32
      %cond3A_275 = arith.constant 0 : i32
      %cond3A_276 = arith.cmpi ne, %convert_element_type3A_274, %cond3A_275 : i32
      scf.if %cond3A_276 {
        %ge3A = arith.constant 4 : i32
        %ge3A_417 = arith.cmpi sge, %add3A_269, %ge3A : i32
        %convert_element_type3A_418 = arith.extui %ge3A_417 : i1 to i32
        %cond3A_419 = arith.constant 0 : i32
        %cond3A_420 = arith.cmpi ne, %convert_element_type3A_418, %cond3A_419 : i32
        scf.if %cond3A_420 {
          %div3A_434 = arith.constant 0 : i32
          %div3A_435 = arith.constant 4 : i32
          %div3A_436 = arith.divsi %div3A_434, %div3A_435 : i32
          %add3A_437 = arith.addi %mul3A_2, %div3A_436 : i32
          %rem3A_438 = arith.constant 0 : i32
          %rem3A_439 = arith.constant 4 : i32
          %rem3A_440 = arith.remsi %rem3A_438, %rem3A_439 : i32
          %mul3A_441 = arith.constant 16 : i32
          %mul3A_442 = arith.muli %rem3A_440, %mul3A_441 : i32
          %dma_wait3A_443 = arith.constant 0 : i32
          %dma_wait3A_444 = tpu.memref_slice %arg4[%add3A_437, %mul3A_442, %dma_wait3A_443] : memref<512x64x768xf32, #tpu.memory_space<hbm>> -> memref<1x16x768xf32, #tpu.memory_space<hbm>>
          %dma_wait3A_445 = tpu.memref_squeeze %dma_wait3A_444 : memref<1x16x768xf32, #tpu.memory_space<hbm>> -> memref<16x768xf32, #tpu.memory_space<hbm>>
          %dma_wait3A_446 = arith.constant 0 : i32
          %dma_wait3A_447 = tpu.memref_slice %arg4[%add3A_437, %mul3A_442, %dma_wait3A_446] : memref<512x64x768xf32, #tpu.memory_space<hbm>> -> memref<1x16x768xf32, #tpu.memory_space<hbm>>
          %dma_wait3A_448 = tpu.memref_squeeze %dma_wait3A_447 : memref<1x16x768xf32, #tpu.memory_space<hbm>> -> memref<16x768xf32, #tpu.memory_space<hbm>>
          tpu.wait_dma2 semaphore(%arg29 : memref<!tpu.dma_semaphore, #tpu.memory_space<semaphore_mem>>) src(%arg13 : memref<16x768xf32, #tpu.memory_space<vmem>>) dst(%dma_wait3A_448 : memref<16x768xf32, #tpu.memory_space<hbm>>)
        } else {
        }
        %add3A_421 = arith.constant 4 : i32
        %add3A_422 = arith.addi %add3A_269, %add3A_421 : i32
        %div3A_423 = arith.constant 4 : i32
        %div3A_424 = arith.divsi %add3A_422, %div3A_423 : i32
        %rem3A_425 = arith.constant 4 : i32
        %rem3A_426 = arith.remsi %add3A_422, %rem3A_425 : i32
        %mul3A_427 = arith.constant 16 : i32
        %mul3A_428 = arith.muli %rem3A_426, %mul3A_427 : i32
        %dma_start3A_429 = tpu.memref_slice %arg5[%div3A_424, %mul3A_428] : memref<16x64xi32, #tpu.memory_space<vmem>> -> memref<1x16xi32, #tpu.memory_space<vmem>>
        %dma_start3A_430 = tpu.memref_squeeze %dma_start3A_429 : memref<1x16xi32, #tpu.memory_space<vmem>> -> memref<16xi32, #tpu.memory_space<vmem>>
        %dma_start3A_431 = arith.constant 0 : i32
        %dma_start3A_432 = arith.constant 0 : i32
        %dma_start3A_433 = tpu.memref_slice %arg3[%dma_start3A_431, %dma_start3A_432] : memref<30522x768xf32, #tpu.memory_space<hbm>> -> memref<30522x768xf32, #tpu.memory_space<hbm>>
        tpu.enqueue_indirect_dma source(%dma_start3A_433 : memref<30522x768xf32, #tpu.memory_space<hbm>>) target(%arg13 : memref<16x768xf32, #tpu.memory_space<vmem>>) offsets(%dma_start3A_430 : memref<16xi32, #tpu.memory_space<vmem>>) semaphore(%arg21 : memref<!tpu.dma_semaphore, #tpu.memory_space<semaphore_mem>>)
      } else {
      }
      %dma_wait3A_277 = arith.constant 0 : i32
      %dma_wait3A_278 = arith.constant 0 : i32
      %dma_wait3A_279 = tpu.memref_slice %arg3[%dma_wait3A_277, %dma_wait3A_278] : memref<30522x768xf32, #tpu.memory_space<hbm>> -> memref<16x768xf32, #tpu.memory_space<hbm>>
      %dma_wait3A_280 = arith.constant 0 : i32
      %dma_wait3A_281 = arith.constant 0 : i32
      %dma_wait3A_282 = tpu.memref_slice %arg3[%dma_wait3A_280, %dma_wait3A_281] : memref<30522x768xf32, #tpu.memory_space<hbm>> -> memref<16x768xf32, #tpu.memory_space<hbm>>
      tpu.wait_dma2 semaphore(%arg17 : memref<!tpu.dma_semaphore, #tpu.memory_space<semaphore_mem>>) src(%dma_wait3A_282 : memref<16x768xf32, #tpu.memory_space<hbm>>) dst(%arg9 : memref<16x768xf32, #tpu.memory_space<vmem>>)
      %div3A_283 = arith.constant 4 : i32
      %div3A_284 = arith.divsi %add3A_269, %div3A_283 : i32
      %add3A_285 = arith.addi %mul3A_2, %div3A_284 : i32
      %rem3A_286 = arith.constant 4 : i32
      %rem3A_287 = arith.remsi %add3A_269, %rem3A_286 : i32
      %mul3A_288 = arith.constant 16 : i32
      %mul3A_289 = arith.muli %rem3A_287, %mul3A_288 : i32
      %dma_start3A_290 = arith.constant 0 : i32
      %dma_start3A_291 = tpu.memref_slice %arg4[%add3A_285, %mul3A_289, %dma_start3A_290] : memref<512x64x768xf32, #tpu.memory_space<hbm>> -> memref<1x16x768xf32, #tpu.memory_space<hbm>>
      %dma_start3A_292 = tpu.memref_squeeze %dma_start3A_291 : memref<1x16x768xf32, #tpu.memory_space<hbm>> -> memref<16x768xf32, #tpu.memory_space<hbm>>
      %dma_start3A_293 = arith.constant 0 : i32
      %dma_start3A_294 = tpu.memref_slice %arg4[%add3A_285, %mul3A_289, %dma_start3A_293] : memref<512x64x768xf32, #tpu.memory_space<hbm>> -> memref<1x16x768xf32, #tpu.memory_space<hbm>>
      %dma_start3A_295 = tpu.memref_squeeze %dma_start3A_294 : memref<1x16x768xf32, #tpu.memory_space<hbm>> -> memref<16x768xf32, #tpu.memory_space<hbm>>
      tpu.enqueue_dma source(%arg9 : memref<16x768xf32, #tpu.memory_space<vmem>>) target(%dma_start3A_295 : memref<16x768xf32, #tpu.memory_space<hbm>>) target_semaphore(%arg25 : memref<!tpu.dma_semaphore, #tpu.memory_space<semaphore_mem>>)
      %mul3A_296 = arith.constant 8 : i32
      %mul3A_297 = arith.muli %scan3A_177, %mul3A_296 : i32
      %add3A_298 = arith.constant 4 : i32
      %add3A_299 = arith.addi %mul3A_297, %add3A_298 : i32
      %add3A_300 = arith.constant 4 : i32
      %add3A_301 = arith.addi %add3A_299, %add3A_300 : i32
      %lt3A_302 = arith.constant 64 : i32
      %lt3A_303 = arith.cmpi slt, %add3A_301, %lt3A_302 : i32
      %convert_element_type3A_304 = arith.extui %lt3A_303 : i1 to i32
      %cond3A_305 = arith.constant 0 : i32
      %cond3A_306 = arith.cmpi ne, %convert_element_type3A_304, %cond3A_305 : i32
      scf.if %cond3A_306 {
        %ge3A = arith.constant 4 : i32
        %ge3A_417 = arith.cmpi sge, %add3A_299, %ge3A : i32
        %convert_element_type3A_418 = arith.extui %ge3A_417 : i1 to i32
        %cond3A_419 = arith.constant 0 : i32
        %cond3A_420 = arith.cmpi ne, %convert_element_type3A_418, %cond3A_419 : i32
        scf.if %cond3A_420 {
          %div3A_434 = arith.constant 0 : i32
          %div3A_435 = arith.constant 4 : i32
          %div3A_436 = arith.divsi %div3A_434, %div3A_435 : i32
          %add3A_437 = arith.addi %mul3A_2, %div3A_436 : i32
          %rem3A_438 = arith.constant 0 : i32
          %rem3A_439 = arith.constant 4 : i32
          %rem3A_440 = arith.remsi %rem3A_438, %rem3A_439 : i32
          %mul3A_441 = arith.constant 16 : i32
          %mul3A_442 = arith.muli %rem3A_440, %mul3A_441 : i32
          %dma_wait3A_443 = arith.constant 0 : i32
          %dma_wait3A_444 = tpu.memref_slice %arg4[%add3A_437, %mul3A_442, %dma_wait3A_443] : memref<512x64x768xf32, #tpu.memory_space<hbm>> -> memref<1x16x768xf32, #tpu.memory_space<hbm>>
          %dma_wait3A_445 = tpu.memref_squeeze %dma_wait3A_444 : memref<1x16x768xf32, #tpu.memory_space<hbm>> -> memref<16x768xf32, #tpu.memory_space<hbm>>
          %dma_wait3A_446 = arith.constant 0 : i32
          %dma_wait3A_447 = tpu.memref_slice %arg4[%add3A_437, %mul3A_442, %dma_wait3A_446] : memref<512x64x768xf32, #tpu.memory_space<hbm>> -> memref<1x16x768xf32, #tpu.memory_space<hbm>>
          %dma_wait3A_448 = tpu.memref_squeeze %dma_wait3A_447 : memref<1x16x768xf32, #tpu.memory_space<hbm>> -> memref<16x768xf32, #tpu.memory_space<hbm>>
          tpu.wait_dma2 semaphore(%arg22 : memref<!tpu.dma_semaphore, #tpu.memory_space<semaphore_mem>>) src(%arg6 : memref<16x768xf32, #tpu.memory_space<vmem>>) dst(%dma_wait3A_448 : memref<16x768xf32, #tpu.memory_space<hbm>>)
        } else {
        }
        %add3A_421 = arith.constant 4 : i32
        %add3A_422 = arith.addi %add3A_299, %add3A_421 : i32
        %div3A_423 = arith.constant 4 : i32
        %div3A_424 = arith.divsi %add3A_422, %div3A_423 : i32
        %rem3A_425 = arith.constant 4 : i32
        %rem3A_426 = arith.remsi %add3A_422, %rem3A_425 : i32
        %mul3A_427 = arith.constant 16 : i32
        %mul3A_428 = arith.muli %rem3A_426, %mul3A_427 : i32
        %dma_start3A_429 = tpu.memref_slice %arg5[%div3A_424, %mul3A_428] : memref<16x64xi32, #tpu.memory_space<vmem>> -> memref<1x16xi32, #tpu.memory_space<vmem>>
        %dma_start3A_430 = tpu.memref_squeeze %dma_start3A_429 : memref<1x16xi32, #tpu.memory_space<vmem>> -> memref<16xi32, #tpu.memory_space<vmem>>
        %dma_start3A_431 = arith.constant 0 : i32
        %dma_start3A_432 = arith.constant 0 : i32
        %dma_start3A_433 = tpu.memref_slice %arg3[%dma_start3A_431, %dma_start3A_432] : memref<30522x768xf32, #tpu.memory_space<hbm>> -> memref<30522x768xf32, #tpu.memory_space<hbm>>
        tpu.enqueue_indirect_dma source(%dma_start3A_433 : memref<30522x768xf32, #tpu.memory_space<hbm>>) target(%arg6 : memref<16x768xf32, #tpu.memory_space<vmem>>) offsets(%dma_start3A_430 : memref<16xi32, #tpu.memory_space<vmem>>) semaphore(%arg14 : memref<!tpu.dma_semaphore, #tpu.memory_space<semaphore_mem>>)
      } else {
      }
      %dma_wait3A_307 = arith.constant 0 : i32
      %dma_wait3A_308 = arith.constant 0 : i32
      %dma_wait3A_309 = tpu.memref_slice %arg3[%dma_wait3A_307, %dma_wait3A_308] : memref<30522x768xf32, #tpu.memory_space<hbm>> -> memref<16x768xf32, #tpu.memory_space<hbm>>
      %dma_wait3A_310 = arith.constant 0 : i32
      %dma_wait3A_311 = arith.constant 0 : i32
      %dma_wait3A_312 = tpu.memref_slice %arg3[%dma_wait3A_310, %dma_wait3A_311] : memref<30522x768xf32, #tpu.memory_space<hbm>> -> memref<16x768xf32, #tpu.memory_space<hbm>>
      tpu.wait_dma2 semaphore(%arg18 : memref<!tpu.dma_semaphore, #tpu.memory_space<semaphore_mem>>) src(%dma_wait3A_312 : memref<16x768xf32, #tpu.memory_space<hbm>>) dst(%arg10 : memref<16x768xf32, #tpu.memory_space<vmem>>)
      %div3A_313 = arith.constant 4 : i32
      %div3A_314 = arith.divsi %add3A_299, %div3A_313 : i32
      %add3A_315 = arith.addi %mul3A_2, %div3A_314 : i32
      %rem3A_316 = arith.constant 4 : i32
      %rem3A_317 = arith.remsi %add3A_299, %rem3A_316 : i32
      %mul3A_318 = arith.constant 16 : i32
      %mul3A_319 = arith.muli %rem3A_317, %mul3A_318 : i32
      %dma_start3A_320 = arith.constant 0 : i32
      %dma_start3A_321 = tpu.memref_slice %arg4[%add3A_315, %mul3A_319, %dma_start3A_320] : memref<512x64x768xf32, #tpu.memory_space<hbm>> -> memref<1x16x768xf32, #tpu.memory_space<hbm>>
      %dma_start3A_322 = tpu.memref_squeeze %dma_start3A_321 : memref<1x16x768xf32, #tpu.memory_space<hbm>> -> memref<16x768xf32, #tpu.memory_space<hbm>>
      %dma_start3A_323 = arith.constant 0 : i32
      %dma_start3A_324 = tpu.memref_slice %arg4[%add3A_315, %mul3A_319, %dma_start3A_323] : memref<512x64x768xf32, #tpu.memory_space<hbm>> -> memref<1x16x768xf32, #tpu.memory_space<hbm>>
      %dma_start3A_325 = tpu.memref_squeeze %dma_start3A_324 : memref<1x16x768xf32, #tpu.memory_space<hbm>> -> memref<16x768xf32, #tpu.memory_space<hbm>>
      tpu.enqueue_dma source(%arg10 : memref<16x768xf32, #tpu.memory_space<vmem>>) target(%dma_start3A_325 : memref<16x768xf32, #tpu.memory_space<hbm>>) target_semaphore(%arg26 : memref<!tpu.dma_semaphore, #tpu.memory_space<semaphore_mem>>)
      %mul3A_326 = arith.constant 8 : i32
      %mul3A_327 = arith.muli %scan3A_177, %mul3A_326 : i32
      %add3A_328 = arith.constant 5 : i32
      %add3A_329 = arith.addi %mul3A_327, %add3A_328 : i32
      %add3A_330 = arith.constant 4 : i32
      %add3A_331 = arith.addi %add3A_329, %add3A_330 : i32
      %lt3A_332 = arith.constant 64 : i32
      %lt3A_333 = arith.cmpi slt, %add3A_331, %lt3A_332 : i32
      %convert_element_type3A_334 = arith.extui %lt3A_333 : i1 to i32
      %cond3A_335 = arith.constant 0 : i32
      %cond3A_336 = arith.cmpi ne, %convert_element_type3A_334, %cond3A_335 : i32
      scf.if %cond3A_336 {
        %ge3A = arith.constant 4 : i32
        %ge3A_417 = arith.cmpi sge, %add3A_329, %ge3A : i32
        %convert_element_type3A_418 = arith.extui %ge3A_417 : i1 to i32
        %cond3A_419 = arith.constant 0 : i32
        %cond3A_420 = arith.cmpi ne, %convert_element_type3A_418, %cond3A_419 : i32
        scf.if %cond3A_420 {
          %div3A_434 = arith.constant 0 : i32
          %div3A_435 = arith.constant 4 : i32
          %div3A_436 = arith.divsi %div3A_434, %div3A_435 : i32
          %add3A_437 = arith.addi %mul3A_2, %div3A_436 : i32
          %rem3A_438 = arith.constant 0 : i32
          %rem3A_439 = arith.constant 4 : i32
          %rem3A_440 = arith.remsi %rem3A_438, %rem3A_439 : i32
          %mul3A_441 = arith.constant 16 : i32
          %mul3A_442 = arith.muli %rem3A_440, %mul3A_441 : i32
          %dma_wait3A_443 = arith.constant 0 : i32
          %dma_wait3A_444 = tpu.memref_slice %arg4[%add3A_437, %mul3A_442, %dma_wait3A_443] : memref<512x64x768xf32, #tpu.memory_space<hbm>> -> memref<1x16x768xf32, #tpu.memory_space<hbm>>
          %dma_wait3A_445 = tpu.memref_squeeze %dma_wait3A_444 : memref<1x16x768xf32, #tpu.memory_space<hbm>> -> memref<16x768xf32, #tpu.memory_space<hbm>>
          %dma_wait3A_446 = arith.constant 0 : i32
          %dma_wait3A_447 = tpu.memref_slice %arg4[%add3A_437, %mul3A_442, %dma_wait3A_446] : memref<512x64x768xf32, #tpu.memory_space<hbm>> -> memref<1x16x768xf32, #tpu.memory_space<hbm>>
          %dma_wait3A_448 = tpu.memref_squeeze %dma_wait3A_447 : memref<1x16x768xf32, #tpu.memory_space<hbm>> -> memref<16x768xf32, #tpu.memory_space<hbm>>
          tpu.wait_dma2 semaphore(%arg23 : memref<!tpu.dma_semaphore, #tpu.memory_space<semaphore_mem>>) src(%arg7 : memref<16x768xf32, #tpu.memory_space<vmem>>) dst(%dma_wait3A_448 : memref<16x768xf32, #tpu.memory_space<hbm>>)
        } else {
        }
        %add3A_421 = arith.constant 4 : i32
        %add3A_422 = arith.addi %add3A_329, %add3A_421 : i32
        %div3A_423 = arith.constant 4 : i32
        %div3A_424 = arith.divsi %add3A_422, %div3A_423 : i32
        %rem3A_425 = arith.constant 4 : i32
        %rem3A_426 = arith.remsi %add3A_422, %rem3A_425 : i32
        %mul3A_427 = arith.constant 16 : i32
        %mul3A_428 = arith.muli %rem3A_426, %mul3A_427 : i32
        %dma_start3A_429 = tpu.memref_slice %arg5[%div3A_424, %mul3A_428] : memref<16x64xi32, #tpu.memory_space<vmem>> -> memref<1x16xi32, #tpu.memory_space<vmem>>
        %dma_start3A_430 = tpu.memref_squeeze %dma_start3A_429 : memref<1x16xi32, #tpu.memory_space<vmem>> -> memref<16xi32, #tpu.memory_space<vmem>>
        %dma_start3A_431 = arith.constant 0 : i32
        %dma_start3A_432 = arith.constant 0 : i32
        %dma_start3A_433 = tpu.memref_slice %arg3[%dma_start3A_431, %dma_start3A_432] : memref<30522x768xf32, #tpu.memory_space<hbm>> -> memref<30522x768xf32, #tpu.memory_space<hbm>>
        tpu.enqueue_indirect_dma source(%dma_start3A_433 : memref<30522x768xf32, #tpu.memory_space<hbm>>) target(%arg7 : memref<16x768xf32, #tpu.memory_space<vmem>>) offsets(%dma_start3A_430 : memref<16xi32, #tpu.memory_space<vmem>>) semaphore(%arg15 : memref<!tpu.dma_semaphore, #tpu.memory_space<semaphore_mem>>)
      } else {
      }
      %dma_wait3A_337 = arith.constant 0 : i32
      %dma_wait3A_338 = arith.constant 0 : i32
      %dma_wait3A_339 = tpu.memref_slice %arg3[%dma_wait3A_337, %dma_wait3A_338] : memref<30522x768xf32, #tpu.memory_space<hbm>> -> memref<16x768xf32, #tpu.memory_space<hbm>>
      %dma_wait3A_340 = arith.constant 0 : i32
      %dma_wait3A_341 = arith.constant 0 : i32
      %dma_wait3A_342 = tpu.memref_slice %arg3[%dma_wait3A_340, %dma_wait3A_341] : memref<30522x768xf32, #tpu.memory_space<hbm>> -> memref<16x768xf32, #tpu.memory_space<hbm>>
      tpu.wait_dma2 semaphore(%arg19 : memref<!tpu.dma_semaphore, #tpu.memory_space<semaphore_mem>>) src(%dma_wait3A_342 : memref<16x768xf32, #tpu.memory_space<hbm>>) dst(%arg11 : memref<16x768xf32, #tpu.memory_space<vmem>>)
      %div3A_343 = arith.constant 4 : i32
      %div3A_344 = arith.divsi %add3A_329, %div3A_343 : i32
      %add3A_345 = arith.addi %mul3A_2, %div3A_344 : i32
      %rem3A_346 = arith.constant 4 : i32
      %rem3A_347 = arith.remsi %add3A_329, %rem3A_346 : i32
      %mul3A_348 = arith.constant 16 : i32
      %mul3A_349 = arith.muli %rem3A_347, %mul3A_348 : i32
      %dma_start3A_350 = arith.constant 0 : i32
      %dma_start3A_351 = tpu.memref_slice %arg4[%add3A_345, %mul3A_349, %dma_start3A_350] : memref<512x64x768xf32, #tpu.memory_space<hbm>> -> memref<1x16x768xf32, #tpu.memory_space<hbm>>
      %dma_start3A_352 = tpu.memref_squeeze %dma_start3A_351 : memref<1x16x768xf32, #tpu.memory_space<hbm>> -> memref<16x768xf32, #tpu.memory_space<hbm>>
      %dma_start3A_353 = arith.constant 0 : i32
      %dma_start3A_354 = tpu.memref_slice %arg4[%add3A_345, %mul3A_349, %dma_start3A_353] : memref<512x64x768xf32, #tpu.memory_space<hbm>> -> memref<1x16x768xf32, #tpu.memory_space<hbm>>
      %dma_start3A_355 = tpu.memref_squeeze %dma_start3A_354 : memref<1x16x768xf32, #tpu.memory_space<hbm>> -> memref<16x768xf32, #tpu.memory_space<hbm>>
      tpu.enqueue_dma source(%arg11 : memref<16x768xf32, #tpu.memory_space<vmem>>) target(%dma_start3A_355 : memref<16x768xf32, #tpu.memory_space<hbm>>) target_semaphore(%arg27 : memref<!tpu.dma_semaphore, #tpu.memory_space<semaphore_mem>>)
      %mul3A_356 = arith.constant 8 : i32
      %mul3A_357 = arith.muli %scan3A_177, %mul3A_356 : i32
      %add3A_358 = arith.constant 6 : i32
      %add3A_359 = arith.addi %mul3A_357, %add3A_358 : i32
      %add3A_360 = arith.constant 4 : i32
      %add3A_361 = arith.addi %add3A_359, %add3A_360 : i32
      %lt3A_362 = arith.constant 64 : i32
      %lt3A_363 = arith.cmpi slt, %add3A_361, %lt3A_362 : i32
      %convert_element_type3A_364 = arith.extui %lt3A_363 : i1 to i32
      %cond3A_365 = arith.constant 0 : i32
      %cond3A_366 = arith.cmpi ne, %convert_element_type3A_364, %cond3A_365 : i32
      scf.if %cond3A_366 {
        %ge3A = arith.constant 4 : i32
        %ge3A_417 = arith.cmpi sge, %add3A_359, %ge3A : i32
        %convert_element_type3A_418 = arith.extui %ge3A_417 : i1 to i32
        %cond3A_419 = arith.constant 0 : i32
        %cond3A_420 = arith.cmpi ne, %convert_element_type3A_418, %cond3A_419 : i32
        scf.if %cond3A_420 {
          %div3A_434 = arith.constant 0 : i32
          %div3A_435 = arith.constant 4 : i32
          %div3A_436 = arith.divsi %div3A_434, %div3A_435 : i32
          %add3A_437 = arith.addi %mul3A_2, %div3A_436 : i32
          %rem3A_438 = arith.constant 0 : i32
          %rem3A_439 = arith.constant 4 : i32
          %rem3A_440 = arith.remsi %rem3A_438, %rem3A_439 : i32
          %mul3A_441 = arith.constant 16 : i32
          %mul3A_442 = arith.muli %rem3A_440, %mul3A_441 : i32
          %dma_wait3A_443 = arith.constant 0 : i32
          %dma_wait3A_444 = tpu.memref_slice %arg4[%add3A_437, %mul3A_442, %dma_wait3A_443] : memref<512x64x768xf32, #tpu.memory_space<hbm>> -> memref<1x16x768xf32, #tpu.memory_space<hbm>>
          %dma_wait3A_445 = tpu.memref_squeeze %dma_wait3A_444 : memref<1x16x768xf32, #tpu.memory_space<hbm>> -> memref<16x768xf32, #tpu.memory_space<hbm>>
          %dma_wait3A_446 = arith.constant 0 : i32
          %dma_wait3A_447 = tpu.memref_slice %arg4[%add3A_437, %mul3A_442, %dma_wait3A_446] : memref<512x64x768xf32, #tpu.memory_space<hbm>> -> memref<1x16x768xf32, #tpu.memory_space<hbm>>
          %dma_wait3A_448 = tpu.memref_squeeze %dma_wait3A_447 : memref<1x16x768xf32, #tpu.memory_space<hbm>> -> memref<16x768xf32, #tpu.memory_space<hbm>>
          tpu.wait_dma2 semaphore(%arg24 : memref<!tpu.dma_semaphore, #tpu.memory_space<semaphore_mem>>) src(%arg8 : memref<16x768xf32, #tpu.memory_space<vmem>>) dst(%dma_wait3A_448 : memref<16x768xf32, #tpu.memory_space<hbm>>)
        } else {
        }
        %add3A_421 = arith.constant 4 : i32
        %add3A_422 = arith.addi %add3A_359, %add3A_421 : i32
        %div3A_423 = arith.constant 4 : i32
        %div3A_424 = arith.divsi %add3A_422, %div3A_423 : i32
        %rem3A_425 = arith.constant 4 : i32
        %rem3A_426 = arith.remsi %add3A_422, %rem3A_425 : i32
        %mul3A_427 = arith.constant 16 : i32
        %mul3A_428 = arith.muli %rem3A_426, %mul3A_427 : i32
        %dma_start3A_429 = tpu.memref_slice %arg5[%div3A_424, %mul3A_428] : memref<16x64xi32, #tpu.memory_space<vmem>> -> memref<1x16xi32, #tpu.memory_space<vmem>>
        %dma_start3A_430 = tpu.memref_squeeze %dma_start3A_429 : memref<1x16xi32, #tpu.memory_space<vmem>> -> memref<16xi32, #tpu.memory_space<vmem>>
        %dma_start3A_431 = arith.constant 0 : i32
        %dma_start3A_432 = arith.constant 0 : i32
        %dma_start3A_433 = tpu.memref_slice %arg3[%dma_start3A_431, %dma_start3A_432] : memref<30522x768xf32, #tpu.memory_space<hbm>> -> memref<30522x768xf32, #tpu.memory_space<hbm>>
        tpu.enqueue_indirect_dma source(%dma_start3A_433 : memref<30522x768xf32, #tpu.memory_space<hbm>>) target(%arg8 : memref<16x768xf32, #tpu.memory_space<vmem>>) offsets(%dma_start3A_430 : memref<16xi32, #tpu.memory_space<vmem>>) semaphore(%arg16 : memref<!tpu.dma_semaphore, #tpu.memory_space<semaphore_mem>>)
      } else {
      }
      %dma_wait3A_367 = arith.constant 0 : i32
      %dma_wait3A_368 = arith.constant 0 : i32
      %dma_wait3A_369 = tpu.memref_slice %arg3[%dma_wait3A_367, %dma_wait3A_368] : memref<30522x768xf32, #tpu.memory_space<hbm>> -> memref<16x768xf32, #tpu.memory_space<hbm>>
      %dma_wait3A_370 = arith.constant 0 : i32
      %dma_wait3A_371 = arith.constant 0 : i32
      %dma_wait3A_372 = tpu.memref_slice %arg3[%dma_wait3A_370, %dma_wait3A_371] : memref<30522x768xf32, #tpu.memory_space<hbm>> -> memref<16x768xf32, #tpu.memory_space<hbm>>
      tpu.wait_dma2 semaphore(%arg20 : memref<!tpu.dma_semaphore, #tpu.memory_space<semaphore_mem>>) src(%dma_wait3A_372 : memref<16x768xf32, #tpu.memory_space<hbm>>) dst(%arg12 : memref<16x768xf32, #tpu.memory_space<vmem>>)
      %div3A_373 = arith.constant 4 : i32
      %div3A_374 = arith.divsi %add3A_359, %div3A_373 : i32
      %add3A_375 = arith.addi %mul3A_2, %div3A_374 : i32
      %rem3A_376 = arith.constant 4 : i32
      %rem3A_377 = arith.remsi %add3A_359, %rem3A_376 : i32
      %mul3A_378 = arith.constant 16 : i32
      %mul3A_379 = arith.muli %rem3A_377, %mul3A_378 : i32
      %dma_start3A_380 = arith.constant 0 : i32
      %dma_start3A_381 = tpu.memref_slice %arg4[%add3A_375, %mul3A_379, %dma_start3A_380] : memref<512x64x768xf32, #tpu.memory_space<hbm>> -> memref<1x16x768xf32, #tpu.memory_space<hbm>>
      %dma_start3A_382 = tpu.memref_squeeze %dma_start3A_381 : memref<1x16x768xf32, #tpu.memory_space<hbm>> -> memref<16x768xf32, #tpu.memory_space<hbm>>
      %dma_start3A_383 = arith.constant 0 : i32
      %dma_start3A_384 = tpu.memref_slice %arg4[%add3A_375, %mul3A_379, %dma_start3A_383] : memref<512x64x768xf32, #tpu.memory_space<hbm>> -> memref<1x16x768xf32, #tpu.memory_space<hbm>>
      %dma_start3A_385 = tpu.memref_squeeze %dma_start3A_384 : memref<1x16x768xf32, #tpu.memory_space<hbm>> -> memref<16x768xf32, #tpu.memory_space<hbm>>
      tpu.enqueue_dma source(%arg12 : memref<16x768xf32, #tpu.memory_space<vmem>>) target(%dma_start3A_385 : memref<16x768xf32, #tpu.memory_space<hbm>>) target_semaphore(%arg28 : memref<!tpu.dma_semaphore, #tpu.memory_space<semaphore_mem>>)
      %mul3A_386 = arith.constant 8 : i32
      %mul3A_387 = arith.muli %scan3A_177, %mul3A_386 : i32
      %add3A_388 = arith.constant 7 : i32
      %add3A_389 = arith.addi %mul3A_387, %add3A_388 : i32
      %add3A_390 = arith.constant 4 : i32
      %add3A_391 = arith.addi %add3A_389, %add3A_390 : i32
      %lt3A_392 = arith.constant 64 : i32
      %lt3A_393 = arith.cmpi slt, %add3A_391, %lt3A_392 : i32
      %convert_element_type3A_394 = arith.extui %lt3A_393 : i1 to i32
      %cond3A_395 = arith.constant 0 : i32
      %cond3A_396 = arith.cmpi ne, %convert_element_type3A_394, %cond3A_395 : i32
      scf.if %cond3A_396 {
        %ge3A = arith.constant 4 : i32
        %ge3A_417 = arith.cmpi sge, %add3A_389, %ge3A : i32
        %convert_element_type3A_418 = arith.extui %ge3A_417 : i1 to i32
        %cond3A_419 = arith.constant 0 : i32
        %cond3A_420 = arith.cmpi ne, %convert_element_type3A_418, %cond3A_419 : i32
        scf.if %cond3A_420 {
          %div3A_434 = arith.constant 0 : i32
          %div3A_435 = arith.constant 4 : i32
          %div3A_436 = arith.divsi %div3A_434, %div3A_435 : i32
          %add3A_437 = arith.addi %mul3A_2, %div3A_436 : i32
          %rem3A_438 = arith.constant 0 : i32
          %rem3A_439 = arith.constant 4 : i32
          %rem3A_440 = arith.remsi %rem3A_438, %rem3A_439 : i32
          %mul3A_441 = arith.constant 16 : i32
          %mul3A_442 = arith.muli %rem3A_440, %mul3A_441 : i32
          %dma_wait3A_443 = arith.constant 0 : i32
          %dma_wait3A_444 = tpu.memref_slice %arg4[%add3A_437, %mul3A_442, %dma_wait3A_443] : memref<512x64x768xf32, #tpu.memory_space<hbm>> -> memref<1x16x768xf32, #tpu.memory_space<hbm>>
          %dma_wait3A_445 = tpu.memref_squeeze %dma_wait3A_444 : memref<1x16x768xf32, #tpu.memory_space<hbm>> -> memref<16x768xf32, #tpu.memory_space<hbm>>
          %dma_wait3A_446 = arith.constant 0 : i32
          %dma_wait3A_447 = tpu.memref_slice %arg4[%add3A_437, %mul3A_442, %dma_wait3A_446] : memref<512x64x768xf32, #tpu.memory_space<hbm>> -> memref<1x16x768xf32, #tpu.memory_space<hbm>>
          %dma_wait3A_448 = tpu.memref_squeeze %dma_wait3A_447 : memref<1x16x768xf32, #tpu.memory_space<hbm>> -> memref<16x768xf32, #tpu.memory_space<hbm>>
          tpu.wait_dma2 semaphore(%arg25 : memref<!tpu.dma_semaphore, #tpu.memory_space<semaphore_mem>>) src(%arg9 : memref<16x768xf32, #tpu.memory_space<vmem>>) dst(%dma_wait3A_448 : memref<16x768xf32, #tpu.memory_space<hbm>>)
        } else {
        }
        %add3A_421 = arith.constant 4 : i32
        %add3A_422 = arith.addi %add3A_389, %add3A_421 : i32
        %div3A_423 = arith.constant 4 : i32
        %div3A_424 = arith.divsi %add3A_422, %div3A_423 : i32
        %rem3A_425 = arith.constant 4 : i32
        %rem3A_426 = arith.remsi %add3A_422, %rem3A_425 : i32
        %mul3A_427 = arith.constant 16 : i32
        %mul3A_428 = arith.muli %rem3A_426, %mul3A_427 : i32
        %dma_start3A_429 = tpu.memref_slice %arg5[%div3A_424, %mul3A_428] : memref<16x64xi32, #tpu.memory_space<vmem>> -> memref<1x16xi32, #tpu.memory_space<vmem>>
        %dma_start3A_430 = tpu.memref_squeeze %dma_start3A_429 : memref<1x16xi32, #tpu.memory_space<vmem>> -> memref<16xi32, #tpu.memory_space<vmem>>
        %dma_start3A_431 = arith.constant 0 : i32
        %dma_start3A_432 = arith.constant 0 : i32
        %dma_start3A_433 = tpu.memref_slice %arg3[%dma_start3A_431, %dma_start3A_432] : memref<30522x768xf32, #tpu.memory_space<hbm>> -> memref<30522x768xf32, #tpu.memory_space<hbm>>
        tpu.enqueue_indirect_dma source(%dma_start3A_433 : memref<30522x768xf32, #tpu.memory_space<hbm>>) target(%arg9 : memref<16x768xf32, #tpu.memory_space<vmem>>) offsets(%dma_start3A_430 : memref<16xi32, #tpu.memory_space<vmem>>) semaphore(%arg17 : memref<!tpu.dma_semaphore, #tpu.memory_space<semaphore_mem>>)
      } else {
      }
      %dma_wait3A_397 = arith.constant 0 : i32
      %dma_wait3A_398 = arith.constant 0 : i32
      %dma_wait3A_399 = tpu.memref_slice %arg3[%dma_wait3A_397, %dma_wait3A_398] : memref<30522x768xf32, #tpu.memory_space<hbm>> -> memref<16x768xf32, #tpu.memory_space<hbm>>
      %dma_wait3A_400 = arith.constant 0 : i32
      %dma_wait3A_401 = arith.constant 0 : i32
      %dma_wait3A_402 = tpu.memref_slice %arg3[%dma_wait3A_400, %dma_wait3A_401] : memref<30522x768xf32, #tpu.memory_space<hbm>> -> memref<16x768xf32, #tpu.memory_space<hbm>>
      tpu.wait_dma2 semaphore(%arg21 : memref<!tpu.dma_semaphore, #tpu.memory_space<semaphore_mem>>) src(%dma_wait3A_402 : memref<16x768xf32, #tpu.memory_space<hbm>>) dst(%arg13 : memref<16x768xf32, #tpu.memory_space<vmem>>)
      %div3A_403 = arith.constant 4 : i32
      %div3A_404 = arith.divsi %add3A_389, %div3A_403 : i32
      %add3A_405 = arith.addi %mul3A_2, %div3A_404 : i32
      %rem3A_406 = arith.constant 4 : i32
      %rem3A_407 = arith.remsi %add3A_389, %rem3A_406 : i32
      %mul3A_408 = arith.constant 16 : i32
      %mul3A_409 = arith.muli %rem3A_407, %mul3A_408 : i32
      %dma_start3A_410 = arith.constant 0 : i32
      %dma_start3A_411 = tpu.memref_slice %arg4[%add3A_405, %mul3A_409, %dma_start3A_410] : memref<512x64x768xf32, #tpu.memory_space<hbm>> -> memref<1x16x768xf32, #tpu.memory_space<hbm>>
      %dma_start3A_412 = tpu.memref_squeeze %dma_start3A_411 : memref<1x16x768xf32, #tpu.memory_space<hbm>> -> memref<16x768xf32, #tpu.memory_space<hbm>>
      %dma_start3A_413 = arith.constant 0 : i32
      %dma_start3A_414 = tpu.memref_slice %arg4[%add3A_405, %mul3A_409, %dma_start3A_413] : memref<512x64x768xf32, #tpu.memory_space<hbm>> -> memref<1x16x768xf32, #tpu.memory_space<hbm>>
      %dma_start3A_415 = tpu.memref_squeeze %dma_start3A_414 : memref<1x16x768xf32, #tpu.memory_space<hbm>> -> memref<16x768xf32, #tpu.memory_space<hbm>>
      tpu.enqueue_dma source(%arg13 : memref<16x768xf32, #tpu.memory_space<vmem>>) target(%dma_start3A_415 : memref<16x768xf32, #tpu.memory_space<hbm>>) target_semaphore(%arg29 : memref<!tpu.dma_semaphore, #tpu.memory_space<semaphore_mem>>)
      %scan3A_416 = arith.constant 0 : i32
      scf.yield %scan3A_416 : i32
    }
    %scan3A_57 = arith.constant 8 : i32
    %div3A_58 = arith.constant 0 : i32
    %div3A_59 = arith.constant 4 : i32
    %div3A_60 = arith.divsi %div3A_58, %div3A_59 : i32
    %add3A_61 = arith.addi %mul3A_2, %div3A_60 : i32
    %rem3A_62 = arith.constant 0 : i32
    %rem3A_63 = arith.constant 4 : i32
    %rem3A_64 = arith.remsi %rem3A_62, %rem3A_63 : i32
    %mul3A_65 = arith.constant 16 : i32
    %mul3A_66 = arith.muli %rem3A_64, %mul3A_65 : i32
    %dma_wait3A = arith.constant 0 : i32
    %dma_wait3A_67 = tpu.memref_slice %arg4[%add3A_61, %mul3A_66, %dma_wait3A] : memref<512x64x768xf32, #tpu.memory_space<hbm>> -> memref<1x16x768xf32, #tpu.memory_space<hbm>>
    %dma_wait3A_68 = tpu.memref_squeeze %dma_wait3A_67 : memref<1x16x768xf32, #tpu.memory_space<hbm>> -> memref<16x768xf32, #tpu.memory_space<hbm>>
    %dma_wait3A_69 = arith.constant 0 : i32
    %dma_wait3A_70 = tpu.memref_slice %arg4[%add3A_61, %mul3A_66, %dma_wait3A_69] : memref<512x64x768xf32, #tpu.memory_space<hbm>> -> memref<1x16x768xf32, #tpu.memory_space<hbm>>
    %dma_wait3A_71 = tpu.memref_squeeze %dma_wait3A_70 : memref<1x16x768xf32, #tpu.memory_space<hbm>> -> memref<16x768xf32, #tpu.memory_space<hbm>>
    tpu.wait_dma2 semaphore(%arg22 : memref<!tpu.dma_semaphore, #tpu.memory_space<semaphore_mem>>) src(%arg6 : memref<16x768xf32, #tpu.memory_space<vmem>>) dst(%dma_wait3A_71 : memref<16x768xf32, #tpu.memory_space<hbm>>)
    %div3A_72 = arith.constant 0 : i32
    %div3A_73 = arith.constant 4 : i32
    %div3A_74 = arith.divsi %div3A_72, %div3A_73 : i32
    %add3A_75 = arith.addi %mul3A_2, %div3A_74 : i32
    %rem3A_76 = arith.constant 0 : i32
    %rem3A_77 = arith.constant 4 : i32
    %rem3A_78 = arith.remsi %rem3A_76, %rem3A_77 : i32
    %mul3A_79 = arith.constant 16 : i32
    %mul3A_80 = arith.muli %rem3A_78, %mul3A_79 : i32
    %dma_wait3A_81 = arith.constant 0 : i32
    %dma_wait3A_82 = tpu.memref_slice %arg4[%add3A_75, %mul3A_80, %dma_wait3A_81] : memref<512x64x768xf32, #tpu.memory_space<hbm>> -> memref<1x16x768xf32, #tpu.memory_space<hbm>>
    %dma_wait3A_83 = tpu.memref_squeeze %dma_wait3A_82 : memref<1x16x768xf32, #tpu.memory_space<hbm>> -> memref<16x768xf32, #tpu.memory_space<hbm>>
    %dma_wait3A_84 = arith.constant 0 : i32
    %dma_wait3A_85 = tpu.memref_slice %arg4[%add3A_75, %mul3A_80, %dma_wait3A_84] : memref<512x64x768xf32, #tpu.memory_space<hbm>> -> memref<1x16x768xf32, #tpu.memory_space<hbm>>
    %dma_wait3A_86 = tpu.memref_squeeze %dma_wait3A_85 : memref<1x16x768xf32, #tpu.memory_space<hbm>> -> memref<16x768xf32, #tpu.memory_space<hbm>>
    tpu.wait_dma2 semaphore(%arg23 : memref<!tpu.dma_semaphore, #tpu.memory_space<semaphore_mem>>) src(%arg7 : memref<16x768xf32, #tpu.memory_space<vmem>>) dst(%dma_wait3A_86 : memref<16x768xf32, #tpu.memory_space<hbm>>)
    %div3A_87 = arith.constant 0 : i32
    %div3A_88 = arith.constant 4 : i32
    %div3A_89 = arith.divsi %div3A_87, %div3A_88 : i32
    %add3A_90 = arith.addi %mul3A_2, %div3A_89 : i32
    %rem3A_91 = arith.constant 0 : i32
    %rem3A_92 = arith.constant 4 : i32
    %rem3A_93 = arith.remsi %rem3A_91, %rem3A_92 : i32
    %mul3A_94 = arith.constant 16 : i32
    %mul3A_95 = arith.muli %rem3A_93, %mul3A_94 : i32
    %dma_wait3A_96 = arith.constant 0 : i32
    %dma_wait3A_97 = tpu.memref_slice %arg4[%add3A_90, %mul3A_95, %dma_wait3A_96] : memref<512x64x768xf32, #tpu.memory_space<hbm>> -> memref<1x16x768xf32, #tpu.memory_space<hbm>>
    %dma_wait3A_98 = tpu.memref_squeeze %dma_wait3A_97 : memref<1x16x768xf32, #tpu.memory_space<hbm>> -> memref<16x768xf32, #tpu.memory_space<hbm>>
    %dma_wait3A_99 = arith.constant 0 : i32
    %dma_wait3A_100 = tpu.memref_slice %arg4[%add3A_90, %mul3A_95, %dma_wait3A_99] : memref<512x64x768xf32, #tpu.memory_space<hbm>> -> memref<1x16x768xf32, #tpu.memory_space<hbm>>
    %dma_wait3A_101 = tpu.memref_squeeze %dma_wait3A_100 : memref<1x16x768xf32, #tpu.memory_space<hbm>> -> memref<16x768xf32, #tpu.memory_space<hbm>>
    tpu.wait_dma2 semaphore(%arg24 : memref<!tpu.dma_semaphore, #tpu.memory_space<semaphore_mem>>) src(%arg8 : memref<16x768xf32, #tpu.memory_space<vmem>>) dst(%dma_wait3A_101 : memref<16x768xf32, #tpu.memory_space<hbm>>)
    %div3A_102 = arith.constant 0 : i32
    %div3A_103 = arith.constant 4 : i32
    %div3A_104 = arith.divsi %div3A_102, %div3A_103 : i32
    %add3A_105 = arith.addi %mul3A_2, %div3A_104 : i32
    %rem3A_106 = arith.constant 0 : i32
    %rem3A_107 = arith.constant 4 : i32
    %rem3A_108 = arith.remsi %rem3A_106, %rem3A_107 : i32
    %mul3A_109 = arith.constant 16 : i32
    %mul3A_110 = arith.muli %rem3A_108, %mul3A_109 : i32
    %dma_wait3A_111 = arith.constant 0 : i32
    %dma_wait3A_112 = tpu.memref_slice %arg4[%add3A_105, %mul3A_110, %dma_wait3A_111] : memref<512x64x768xf32, #tpu.memory_space<hbm>> -> memref<1x16x768xf32, #tpu.memory_space<hbm>>
    %dma_wait3A_113 = tpu.memref_squeeze %dma_wait3A_112 : memref<1x16x768xf32, #tpu.memory_space<hbm>> -> memref<16x768xf32, #tpu.memory_space<hbm>>
    %dma_wait3A_114 = arith.constant 0 : i32
    %dma_wait3A_115 = tpu.memref_slice %arg4[%add3A_105, %mul3A_110, %dma_wait3A_114] : memref<512x64x768xf32, #tpu.memory_space<hbm>> -> memref<1x16x768xf32, #tpu.memory_space<hbm>>
    %dma_wait3A_116 = tpu.memref_squeeze %dma_wait3A_115 : memref<1x16x768xf32, #tpu.memory_space<hbm>> -> memref<16x768xf32, #tpu.memory_space<hbm>>
    tpu.wait_dma2 semaphore(%arg25 : memref<!tpu.dma_semaphore, #tpu.memory_space<semaphore_mem>>) src(%arg9 : memref<16x768xf32, #tpu.memory_space<vmem>>) dst(%dma_wait3A_116 : memref<16x768xf32, #tpu.memory_space<hbm>>)
    %div3A_117 = arith.constant 0 : i32
    %div3A_118 = arith.constant 4 : i32
    %div3A_119 = arith.divsi %div3A_117, %div3A_118 : i32
    %add3A_120 = arith.addi %mul3A_2, %div3A_119 : i32
    %rem3A_121 = arith.constant 0 : i32
    %rem3A_122 = arith.constant 4 : i32
    %rem3A_123 = arith.remsi %rem3A_121, %rem3A_122 : i32
    %mul3A_124 = arith.constant 16 : i32
    %mul3A_125 = arith.muli %rem3A_123, %mul3A_124 : i32
    %dma_wait3A_126 = arith.constant 0 : i32
    %dma_wait3A_127 = tpu.memref_slice %arg4[%add3A_120, %mul3A_125, %dma_wait3A_126] : memref<512x64x768xf32, #tpu.memory_space<hbm>> -> memref<1x16x768xf32, #tpu.memory_space<hbm>>
    %dma_wait3A_128 = tpu.memref_squeeze %dma_wait3A_127 : memref<1x16x768xf32, #tpu.memory_space<hbm>> -> memref<16x768xf32, #tpu.memory_space<hbm>>
    %dma_wait3A_129 = arith.constant 0 : i32
    %dma_wait3A_130 = tpu.memref_slice %arg4[%add3A_120, %mul3A_125, %dma_wait3A_129] : memref<512x64x768xf32, #tpu.memory_space<hbm>> -> memref<1x16x768xf32, #tpu.memory_space<hbm>>
    %dma_wait3A_131 = tpu.memref_squeeze %dma_wait3A_130 : memref<1x16x768xf32, #tpu.memory_space<hbm>> -> memref<16x768xf32, #tpu.memory_space<hbm>>
    tpu.wait_dma2 semaphore(%arg26 : memref<!tpu.dma_semaphore, #tpu.memory_space<semaphore_mem>>) src(%arg10 : memref<16x768xf32, #tpu.memory_space<vmem>>) dst(%dma_wait3A_131 : memref<16x768xf32, #tpu.memory_space<hbm>>)
    %div3A_132 = arith.constant 0 : i32
    %div3A_133 = arith.constant 4 : i32
    %div3A_134 = arith.divsi %div3A_132, %div3A_133 : i32
    %add3A_135 = arith.addi %mul3A_2, %div3A_134 : i32
    %rem3A_136 = arith.constant 0 : i32
    %rem3A_137 = arith.constant 4 : i32
    %rem3A_138 = arith.remsi %rem3A_136, %rem3A_137 : i32
    %mul3A_139 = arith.constant 16 : i32
    %mul3A_140 = arith.muli %rem3A_138, %mul3A_139 : i32
    %dma_wait3A_141 = arith.constant 0 : i32
    %dma_wait3A_142 = tpu.memref_slice %arg4[%add3A_135, %mul3A_140, %dma_wait3A_141] : memref<512x64x768xf32, #tpu.memory_space<hbm>> -> memref<1x16x768xf32, #tpu.memory_space<hbm>>
    %dma_wait3A_143 = tpu.memref_squeeze %dma_wait3A_142 : memref<1x16x768xf32, #tpu.memory_space<hbm>> -> memref<16x768xf32, #tpu.memory_space<hbm>>
    %dma_wait3A_144 = arith.constant 0 : i32
    %dma_wait3A_145 = tpu.memref_slice %arg4[%add3A_135, %mul3A_140, %dma_wait3A_144] : memref<512x64x768xf32, #tpu.memory_space<hbm>> -> memref<1x16x768xf32, #tpu.memory_space<hbm>>
    %dma_wait3A_146 = tpu.memref_squeeze %dma_wait3A_145 : memref<1x16x768xf32, #tpu.memory_space<hbm>> -> memref<16x768xf32, #tpu.memory_space<hbm>>
    tpu.wait_dma2 semaphore(%arg27 : memref<!tpu.dma_semaphore, #tpu.memory_space<semaphore_mem>>) src(%arg11 : memref<16x768xf32, #tpu.memory_space<vmem>>) dst(%dma_wait3A_146 : memref<16x768xf32, #tpu.memory_space<hbm>>)
    %div3A_147 = arith.constant 0 : i32
    %div3A_148 = arith.constant 4 : i32
    %div3A_149 = arith.divsi %div3A_147, %div3A_148 : i32
    %add3A_150 = arith.addi %mul3A_2, %div3A_149 : i32
    %rem3A_151 = arith.constant 0 : i32
    %rem3A_152 = arith.constant 4 : i32
    %rem3A_153 = arith.remsi %rem3A_151, %rem3A_152 : i32
    %mul3A_154 = arith.constant 16 : i32
    %mul3A_155 = arith.muli %rem3A_153, %mul3A_154 : i32
    %dma_wait3A_156 = arith.constant 0 : i32
    %dma_wait3A_157 = tpu.memref_slice %arg4[%add3A_150, %mul3A_155, %dma_wait3A_156] : memref<512x64x768xf32, #tpu.memory_space<hbm>> -> memref<1x16x768xf32, #tpu.memory_space<hbm>>
    %dma_wait3A_158 = tpu.memref_squeeze %dma_wait3A_157 : memref<1x16x768xf32, #tpu.memory_space<hbm>> -> memref<16x768xf32, #tpu.memory_space<hbm>>
    %dma_wait3A_159 = arith.constant 0 : i32
    %dma_wait3A_160 = tpu.memref_slice %arg4[%add3A_150, %mul3A_155, %dma_wait3A_159] : memref<512x64x768xf32, #tpu.memory_space<hbm>> -> memref<1x16x768xf32, #tpu.memory_space<hbm>>
    %dma_wait3A_161 = tpu.memref_squeeze %dma_wait3A_160 : memref<1x16x768xf32, #tpu.memory_space<hbm>> -> memref<16x768xf32, #tpu.memory_space<hbm>>
    tpu.wait_dma2 semaphore(%arg28 : memref<!tpu.dma_semaphore, #tpu.memory_space<semaphore_mem>>) src(%arg12 : memref<16x768xf32, #tpu.memory_space<vmem>>) dst(%dma_wait3A_161 : memref<16x768xf32, #tpu.memory_space<hbm>>)
    %div3A_162 = arith.constant 0 : i32
    %div3A_163 = arith.constant 4 : i32
    %div3A_164 = arith.divsi %div3A_162, %div3A_163 : i32
    %add3A_165 = arith.addi %mul3A_2, %div3A_164 : i32
    %rem3A_166 = arith.constant 0 : i32
    %rem3A_167 = arith.constant 4 : i32
    %rem3A_168 = arith.remsi %rem3A_166, %rem3A_167 : i32
    %mul3A_169 = arith.constant 16 : i32
    %mul3A_170 = arith.muli %rem3A_168, %mul3A_169 : i32
    %dma_wait3A_171 = arith.constant 0 : i32
    %dma_wait3A_172 = tpu.memref_slice %arg4[%add3A_165, %mul3A_170, %dma_wait3A_171] : memref<512x64x768xf32, #tpu.memory_space<hbm>> -> memref<1x16x768xf32, #tpu.memory_space<hbm>>
    %dma_wait3A_173 = tpu.memref_squeeze %dma_wait3A_172 : memref<1x16x768xf32, #tpu.memory_space<hbm>> -> memref<16x768xf32, #tpu.memory_space<hbm>>
    %dma_wait3A_174 = arith.constant 0 : i32
    %dma_wait3A_175 = tpu.memref_slice %arg4[%add3A_165, %mul3A_170, %dma_wait3A_174] : memref<512x64x768xf32, #tpu.memory_space<hbm>> -> memref<1x16x768xf32, #tpu.memory_space<hbm>>
    %dma_wait3A_176 = tpu.memref_squeeze %dma_wait3A_175 : memref<1x16x768xf32, #tpu.memory_space<hbm>> -> memref<16x768xf32, #tpu.memory_space<hbm>>
    tpu.wait_dma2 semaphore(%arg29 : memref<!tpu.dma_semaphore, #tpu.memory_space<semaphore_mem>>) src(%arg13 : memref<16x768xf32, #tpu.memory_space<vmem>>) dst(%dma_wait3A_176 : memref<16x768xf32, #tpu.memory_space<hbm>>)
    return
  }
}

module attributes {stable_mosaic.version = 14 : i64} {
  func.func @_ln_body(%arg0: i32, %arg1: memref<32x64x768xf32, #tpu.memory_space<vmem>>, %arg2: memref<32x768xf32, #tpu.memory_space<vmem>>, %arg3: memref<2x768xf32, #tpu.memory_space<vmem>>, %arg4: memref<1x768xf32, #tpu.memory_space<vmem>>, %arg5: memref<1x768xf32, #tpu.memory_space<vmem>>, %arg6: memref<32x64x768xf32, #tpu.memory_space<vmem>>) attributes {dimension_semantics = [#tpu.dimension_semantics<arbitrary>], iteration_bounds = array<i64: 16>, scalar_prefetch = 0 : i64, scratch_operands = 0 : i64, tpu.core_type = #tpu.core_type<tc>, window_params = [{transform_indices = @transform_0, window_bounds = array<i64: 32, 64, 768>}, {transform_indices = @transform_1, window_bounds = array<i64: 32, 768>}, {pipeline_mode = #tpu.pipeline_mode<synchronous>, transform_indices = @transform_2, window_bounds = array<i64: 2, 768>}, {pipeline_mode = #tpu.pipeline_mode<synchronous>, transform_indices = @transform_3, window_bounds = array<i64: 1, 768>}, {pipeline_mode = #tpu.pipeline_mode<synchronous>, transform_indices = @transform_4, window_bounds = array<i64: 1, 768>}, {transform_indices = @transform_5, window_bounds = array<i64: 32, 64, 768>}]} {
    %get3A = arith.constant 0 : index
    %get3A_0 = arith.constant 0 : index
    %get3A_1 = arith.constant 0 : index
    %get3A_2 = vector.load %arg1[%get3A, %get3A_0, %get3A_1] : memref<32x64x768xf32, #tpu.memory_space<vmem>>, vector<32x64x768xf32>
    %get3A_3 = arith.constant 0 : index
    %get3A_4 = arith.constant 0 : index
    %get3A_5 = vector.load %arg2[%get3A_3, %get3A_4] : memref<32x768xf32, #tpu.memory_space<vmem>>, vector<32x768xf32>
    %broadcast_in_dim3A = vector.shape_cast %get3A_5 : vector<32x768xf32> to vector<32x1x768xf32>
    %add3A = vector.broadcast %broadcast_in_dim3A : vector<32x1x768xf32> to vector<32x64x768xf32>
    %add3A_6 = arith.addf %get3A_2, %add3A : vector<32x64x768xf32>
    %get3A_7 = arith.constant 0 : index
    %get3A_8 = arith.constant 0 : index
    %get3A_9 = vector.load %arg3[%get3A_7, %get3A_8] : memref<2x768xf32, #tpu.memory_space<vmem>>, vector<2x768xf32>
    %slice3A = vector.extract_strided_slice %get3A_9 {offsets = [0, 0], sizes = [1, 768], strides = [1, 1]} : vector<2x768xf32> to vector<1x768xf32>
    %squeeze3A = vector.shape_cast %slice3A : vector<1x768xf32> to vector<768xf32>
    %broadcast_in_dim3A_10 = vector.shape_cast %squeeze3A : vector<768xf32> to vector<1x1x768xf32>
    %add3A_11 = vector.broadcast %broadcast_in_dim3A_10 : vector<1x1x768xf32> to vector<32x64x768xf32>
    %add3A_12 = arith.addf %add3A_6, %add3A_11 : vector<32x64x768xf32>
    %reduce_sum3A = arith.constant dense<0.000000e+00> : vector<32x64xf32>
    %reduce_sum3A_13 = vector.multi_reduction <add>, %add3A_12, %reduce_sum3A [2] : vector<32x64x768xf32> to vector<32x64xf32>
    %broadcast_in_dim3A_14 = vector.shape_cast %reduce_sum3A_13 : vector<32x64xf32> to vector<32x64x1xf32>
    %mul3A = arith.mulf %add3A_12, %add3A_12 : vector<32x64x768xf32>
    %reduce_sum3A_15 = arith.constant dense<0.000000e+00> : vector<32x64xf32>
    %reduce_sum3A_16 = vector.multi_reduction <add>, %mul3A, %reduce_sum3A_15 [2] : vector<32x64x768xf32> to vector<32x64xf32>
    %broadcast_in_dim3A_17 = vector.shape_cast %reduce_sum3A_16 : vector<32x64xf32> to vector<32x64x1xf32>
    %mul3A_18 = arith.constant 0.00130208337 : f32
    %mul3A_19 = vector.broadcast %mul3A_18 : f32 to vector<32x64x1xf32>
    %mul3A_20 = arith.mulf %broadcast_in_dim3A_14, %mul3A_19 : vector<32x64x1xf32>
    %mul3A_21 = arith.constant 0.00130208337 : f32
    %mul3A_22 = vector.broadcast %mul3A_21 : f32 to vector<32x64x1xf32>
    %mul3A_23 = arith.mulf %broadcast_in_dim3A_17, %mul3A_22 : vector<32x64x1xf32>
    %mul3A_24 = arith.mulf %mul3A_20, %mul3A_20 : vector<32x64x1xf32>
    %sub3A = arith.subf %mul3A_23, %mul3A_24 : vector<32x64x1xf32>
    %add3A_25 = arith.constant 9.99999996E-13 : f32
    %add3A_26 = vector.broadcast %add3A_25 : f32 to vector<32x64x1xf32>
    %add3A_27 = arith.addf %sub3A, %add3A_26 : vector<32x64x1xf32>
    %rsqrt3A = math.rsqrt %add3A_27 : vector<32x64x1xf32>
    %get3A_28 = arith.constant 0 : index
    %get3A_29 = arith.constant 0 : index
    %get3A_30 = vector.load %arg4[%get3A_28, %get3A_29] : memref<1x768xf32, #tpu.memory_space<vmem>>, vector<1x768xf32>
    %squeeze3A_31 = vector.shape_cast %get3A_30 : vector<1x768xf32> to vector<768xf32>
    %mul3A_32 = arith.constant 27.7128124 : f32
    %mul3A_33 = vector.broadcast %mul3A_32 : f32 to vector<768xf32>
    %mul3A_34 = arith.mulf %squeeze3A_31, %mul3A_33 : vector<768xf32>
    %get3A_35 = arith.constant 0 : index
    %get3A_36 = arith.constant 0 : index
    %get3A_37 = vector.load %arg5[%get3A_35, %get3A_36] : memref<1x768xf32, #tpu.memory_space<vmem>>, vector<1x768xf32>
    %squeeze3A_38 = vector.shape_cast %get3A_37 : vector<1x768xf32> to vector<768xf32>
    %mul3A_39 = arith.constant 27.7128124 : f32
    %mul3A_40 = vector.broadcast %mul3A_39 : f32 to vector<768xf32>
    %mul3A_41 = arith.mulf %squeeze3A_38, %mul3A_40 : vector<768xf32>
    %mul3A_42 = vector.broadcast %rsqrt3A : vector<32x64x1xf32> to vector<32x64x768xf32>
    %mul3A_43 = arith.mulf %add3A_12, %mul3A_42 : vector<32x64x768xf32>
    %mul3A_44 = arith.mulf %mul3A_20, %rsqrt3A : vector<32x64x1xf32>
    %sub3A_45 = vector.broadcast %mul3A_44 : vector<32x64x1xf32> to vector<32x64x768xf32>
    %sub3A_46 = arith.subf %mul3A_43, %sub3A_45 : vector<32x64x768xf32>
    %broadcast_in_dim3A_47 = vector.shape_cast %mul3A_34 : vector<768xf32> to vector<1x1x768xf32>
    %mul3A_48 = vector.broadcast %broadcast_in_dim3A_47 : vector<1x1x768xf32> to vector<32x64x768xf32>
    %mul3A_49 = arith.mulf %sub3A_46, %mul3A_48 : vector<32x64x768xf32>
    %broadcast_in_dim3A_50 = vector.shape_cast %mul3A_41 : vector<768xf32> to vector<1x1x768xf32>
    %add3A_51 = vector.broadcast %broadcast_in_dim3A_50 : vector<1x1x768xf32> to vector<32x64x768xf32>
    %add3A_52 = arith.addf %mul3A_49, %add3A_51 : vector<32x64x768xf32>
    %swap3A = arith.constant 0 : index
    %swap3A_53 = arith.constant 0 : index
    %swap3A_54 = arith.constant 0 : index
    %swap3A_55 = vector.load %arg6[%swap3A, %swap3A_53, %swap3A_54] : memref<32x64x768xf32, #tpu.memory_space<vmem>>, vector<32x64x768xf32>
    tpu.vector_store %arg6[%swap3A, %swap3A_53, %swap3A_54], %add3A_52 {strides = array<i32>} : memref<32x64x768xf32, #tpu.memory_space<vmem>>, vector<32x64x768xf32>,
    return
  }
  func.func @transform_0(%arg0: i32) -> (i32, i32, i32) {
    %c0_i32 = arith.constant 0 : i32
    %c0_i32_0 = arith.constant 0 : i32
    %c0_i32_1 = arith.constant 0 : i32
    return %arg0, %c0_i32, %c0_i32_0 : i32, i32, i32
  }
  func.func @transform_1(%arg0: i32) -> (i32, i32) {
    %c0_i32 = arith.constant 0 : i32
    %c0_i32_0 = arith.constant 0 : i32
    return %arg0, %c0_i32 : i32, i32
  }
  func.func @transform_2(%arg0: i32) -> (i32, i32) {
    %c0_i32 = arith.constant 0 : i32
    %c0_i32_0 = arith.constant 0 : i32
    %c0_i32_1 = arith.constant 0 : i32
    return %c0_i32, %c0_i32_0 : i32, i32
  }
  func.func @transform_3(%arg0: i32) -> (i32, i32) {
    %c0_i32 = arith.constant 0 : i32
    %c0_i32_0 = arith.constant 0 : i32
    %c0_i32_1 = arith.constant 0 : i32
    return %c0_i32, %c0_i32_0 : i32, i32
  }
  func.func @transform_4(%arg0: i32) -> (i32, i32) {
    %c0_i32 = arith.constant 0 : i32
    %c0_i32_0 = arith.constant 0 : i32
    %c0_i32_1 = arith.constant 0 : i32
    return %c0_i32, %c0_i32_0 : i32, i32
  }
  func.func @transform_5(%arg0: i32) -> (i32, i32, i32) {
    %c0_i32 = arith.constant 0 : i32
    %c0_i32_0 = arith.constant 0 : i32
    %c0_i32_1 = arith.constant 0 : i32
    return %arg0, %c0_i32, %c0_i32_0 : i32, i32, i32
  }
}

</mosaic_0001>

<sc_bundles>
// kernel: kernel.4.cloned.1.call-start
scs
__scs_entry_jumppad:
0x0: {  	(pc) =	sbr.rel $0x88, $3  }
0x1: {  	(tag) =	ssettag $0x0;
	lr =	simm.s32 $0x1  }
0x2: {  	[smem:$0x3F9B] =	sst lr;
	_ =	strace $0xD0000000  }
0x3: {  	_ = 	snop  }
0x4: {  	_ = 	snop  }
0x5: {  	_ = 	snop  }
0x6: {  	_ = 	snop  }
0x7: {  	_ = 	snop  }
__scs_overlays_trampoline_lowered:
0x8: {  	[smem:$0x3FAA] =	sst s0  }
0x9: {  	[smem:$0x3FAB] =	sst s1  }
0xa: {  	[smem:$0x3FAC] =	sst s2  }
0xb: {  	[smem:$0x3FAD] =	sst s3  }
0xc: {  	[smem:$0x3FAE] =	sst s4  }
0xd: {  	[smem:$0x3FAF] =	sst s5  }
0xe: {  	[smem:$0x3FB0] =	sst s6  }
0xf: {  	[smem:$0x3FB1] =	sst s7  }
0x10: {  	[smem:$0x3FB2] =	sst s8  }
0x11: {  	[smem:$0x3FB3] =	sst s9;
	s0 =	simm.s32 @!p0 $0x0  }
0x12: {  	s1 =	sld [smem:$0x3F99];
	s0 =	simm.s32 @p0 $0x1  }
0x13: {  	[smem:$0x3FB4] =	sst s0;
	s0 =	simm.s32 @!p1 $0x0  }
0x14: {  	s2 =	sld [smem:$0x3F98];
	s0 =	simm.s32 @p1 $0x1  }
0x15: {  	[smem:$0x3FB5] =	sst s0;
	s0 =	simm.s32 @!p2 $0x0  }
0x16: {  	s3 =	sld [smem:$0x3FDB];
	s0 =	simm.s32 @p2 $0x1  }
0x17: {  	s4 =	simm.s32 $0x1BF5;
	[smem:$0x3FB7] =	sst s0  }
0x18: {  	s0 =	sld [smem:$0x3F9A];
	_ =	swait.ge [sflag:s4], $0x0  }
0x19: {  	s7 =	sld [smem:$0x3F9B]  }
0x1a: {  	s8 =	sadd.s32 $0xFFFFE003, lr  }
0x1b: {  	s9 =	sadd.s32 $0xFFFFFEF7, lr;
	s5 =	simm.s32 $0xFFFFFFFF;
	p2 =	slt.u32 s8, $0xFFFFF086  }
0x1c: {  	p1 =	slt.u32 s9, $0xF7A;
	s5 =	simm.s32 @!p2 $0x0  }
0x1d: {  	s5 =	simm.s32 @p1 $0x1;
	p0 =	seq.s32 s7, s2  }
0x1e: {  	s7 =	smul.u32 @!p0 $0xF7A, s2;
	p2 =	seq.s32 @!p0 s5, $0x0  }
0x1f: {  	s9 =	smul.u32 $0xF7A, s1;
	s8 =	simm.s32 @!p0 $0x1BF5;
	p2 =	por !p2, p0  }
0x20: {  	[sflag:s8] =	ssyncset.s32 @!p0 $0xFFFFF086;
	s6 =	sadd.s32 @!p0 s3, s7;
	s7 =	simm.s32 @!p0 $0x108  }
0x21: {  	s3 =	sadd.s32 s3, s9;
	s6 =	sadd.s32 @!p0 $0x88, s6;
	s7 =	simm.s32 @p2 $0x1082  }
0x22: {  	[simem:s7], [sflag:s8] =	dma.local @!p0 [hbm:s6], $0xF7A  }
0x23: {  	s9 =	sor.u32 $0xD0000000, s2;
	s6 =	simm.s32 $0x108;
	_ =	swait.ge @!p0 [sflag:s8], $0x0  }
0x24: {  	s3 =	sadd.s32 $0x88, s3;
	s6 =	simm.s32 @!p1 $0x1082;
	[sflag:s4] =	ssyncset.s32 $0xFFFFF086  }
0x25: {  	[simem:s6], [sflag:s4] =	dma.local [hbm:s3], $0xF7A  }
0x26: {  	[smem:$0x3F9B] =	sst s1;
	(tag) =	ssettag s2;
	_ =	strace s9  }
0x27: {  	s1 =	sld [smem:$0x3FAB]  }
0x28: {  	s2 =	sld [smem:$0x3FAC]  }
0x29: {  	s4 =	sld [smem:$0x3FAE]  }
0x2a: {  	p0 =	seq.s32 s5, $0x0;
	s5 =	sld [smem:$0x3FAF]  }
0x2b: {  	s6 =	sld [smem:$0x3FB0]  }
0x2c: {  	s7 =	sld [smem:$0x3FB1]  }
0x2d: {  	s3 =	simm.s32 $0x108;
	s8 =	sld [smem:$0x3FB2]  }
0x2e: {  	s3 =	simm.s32 @!p0 $0x1082;
	s9 =	sld [smem:$0x3FB3]  }
0x2f: {  	lr =	sadd.s32 s0, s3;
	s0 =	sld [smem:$0x3FAA]  }
0x30: {  	s3 =	sld [smem:$0x3FAD]  }
0x31: {  	[smem:$0x3FB6] =	sst s10  }
0x32: {  	s10 =	sld [smem:$0x3FB4];
	_ =	sdelay $0x3  }
0x33: {  	p0 =	seq.s32 s10, $0x1;
	s10 =	sld [smem:$0x3FB6];
	_ =	sdelay $0x3  }
0x34: {  	[smem:$0x3FB6] =	sst s10  }
0x35: {  	s10 =	sld [smem:$0x3FB5];
	_ =	sdelay $0x3  }
0x36: {  	p1 =	seq.s32 s10, $0x1;
	s10 =	sld [smem:$0x3FB6];
	_ =	sdelay $0x3  }
0x37: {  	[smem:$0x3FB6] =	sst s10  }
0x38: {  	s10 =	sld [smem:$0x3FB7]  }
0x39: {  	_ = 	snop;
	(pc) =	sbr.ind lr, $3  }
0x3a: {  	_ = 	snop  }
0x3b: {  	_ = 	snop  }
0x3c: {  	p2 =	seq.s32 s10, $0x1;
	s10 =	sld [smem:$0x3FB6]  }
0x3d: {  	_ =	shalt  }
0x3e: {  	_ =	shalt  }
0x3f: {  	_ =	shalt  }
0x40: {  	_ =	shalt  }
0x41: {  	_ =	shalt  }
0x42: {  	_ =	shalt  }
0x43: {  	_ =	shalt  }
0x44: {  	_ =	shalt  }
0x45: {  	_ =	shalt  }
0x46: {  	_ =	shalt  }
0x47: {  	_ =	shalt  }
0x48: {  	_ =	shalt  }
0x49: {  	_ =	shalt  }
0x4a: {  	_ =	shalt  }
0x4b: {  	_ =	shalt  }
0x4c: {  	_ =	shalt  }
0x4d: {  	_ =	shalt  }
0x4e: {  	_ =	shalt  }
0x4f: {  	_ =	shalt  }
0x50: {  	_ =	shalt  }
0x51: {  	_ =	shalt  }
0x52: {  	_ =	shalt  }
0x53: {  	_ =	shalt  }
0x54: {  	_ =	shalt  }
0x55: {  	_ =	shalt  }
0x56: {  	_ =	shalt  }
0x57: {  	_ =	shalt  }
0x58: {  	_ =	shalt  }
0x59: {  	_ =	shalt  }
0x5a: {  	_ =	shalt  }
0x5b: {  	_ =	shalt  }
0x5c: {  	_ =	shalt  }
0x5d: {  	_ =	shalt  }
0x5e: {  	_ =	shalt  }
0x5f: {  	_ =	shalt  }
0x60: {  	_ =	shalt  }
0x61: {  	_ =	shalt  }
0x62: {  	_ =	shalt  }
0x63: {  	_ =	shalt  }
0x64: {  	_ =	shalt  }
0x65: {  	_ =	shalt  }
0x66: {  	_ =	shalt  }
0x67: {  	_ =	shalt  }
0x68: {  	_ =	shalt  }
0x69: {  	_ =	shalt  }
0x6a: {  	_ =	shalt  }
0x6b: {  	_ =	shalt  }
0x6c: {  	_ =	shalt  }
0x6d: {  	_ =	shalt  }
0x6e: {  	_ =	shalt  }
0x6f: {  	_ =	shalt  }
0x70: {  	_ =	shalt  }
0x71: {  	_ =	shalt  }
0x72: {  	_ =	shalt  }
0x73: {  	_ =	shalt  }
0x74: {  	_ =	shalt  }
0x75: {  	_ =	shalt  }
0x76: {  	_ =	shalt  }
0x77: {  	_ =	shalt  }
0x78: {  	_ =	shalt  }
0x79: {  	_ =	shalt  }
0x7a: {  	_ =	shalt  }
0x7b: {  	_ =	shalt  }
0x7c: {  	_ =	shalt  }
0x7d: {  	_ =	shalt  }
0x7e: {  	_ =	shalt  }
0x7f: {  	_ =	shalt  }
0x80: {  	_ =	shalt  }
0x81: {  	_ =	shalt  }
0x82: {  	_ =	shalt  }
0x83: {  	_ =	shalt  }
0x84: {  	_ =	shalt  }
0x85: {  	_ =	shalt  }
0x86: {  	_ =	shalt  }
0x87: {  	_ =	shalt  }
.Lfunc_end0:
.L_simem_size_0:
called_computation_lowered:
.L_overlay_start_0:
0x88: {  	s2 =	sld [smem:$0x3FD9]  }
0x89: {  	s3 =	sld [smem:$0x3FFE];
	_ =	sdelay $0x1  }
0x8a: {  	s1 =	srdreg.scid  }
0x8b: {  	s0 =	sand.u32 $0x1, s1  }
0x8c: {  	s17 =	sshll.u32 s0, $0xA;
	s2 =	sadd.s32 s3, s2  }
0x8d: {  	s2 =	sadd.s32 s2, s17  }
0x8e: {  	[smem:$0x3FC2] =	sst s2  }
0x8f: {  	_ = 	snop  }
0x90: {  	s2 =	sld [smem:$0x3FC8]  }
0x91: {  	s18 =	sld [smem:$0x3FD0];
	(tm) =	ssettm $0x1  }
0x92: {  	s4 =	sld [smem:$0x3FFB];
	_ =	sdelay $0x3  }
0x93: {  	_ =	strace s4  }
0x94: {  	s4 =	sld [smem:$0x3FFC];
	_ =	sdelay $0x3  }
0x95: {  	_ =	strace s4  }
0x96: {  	s4 =	sld [smem:$0x3FFD];
	_ =	sdelay $0x3  }
0x97: {  	_ =	strace s4  }
0x98: {  	_ =	strace $0x8FFFFFFF  }
0x99: {  	s19 =	sld [smem:$0x3FDB];
	_ =	sdelay $0x1  }
0x9a: {  	s5 =	simm.s32 $_scs_section_size  }
0x9b: {  	s6 =	simm.s32 $_size__tile_overlayer_lowered;
	s7 =	simm.s32 $_tile_overlayer_lowered  }
0x9c: {  	s22 =	simm.s32 $0x1BFF;
	s21 =	sshll.u32 s7, $0x1;
	s4 =	sadd.s32 s5, s19  }
0x9d: {  	s8 =	simm.s32 $0x0;
	s20 =	sshll.u32 s6, $0x1;
	s6 =	sadd.s32 s21, s4  }
0x9e: {  	[timem:s8], [sflag:s22] =	dma.local [hbm:s6], s20  }
0x9f: {  	_ =	swait.ge [sflag:s22], s20  }
0xa0: {  	s5 =	ssub.s32 $0x0, s20;
	[sflag:s22] =	ssyncset.done $0x0  }
0xa1: {  	[sflag:s22] =	ssyncadd.s32 s5;
	_ =	sdelay $0x1  }
0xa2: {  	s23 =	simm.s32 $0x1B8B  }
0xa3: {  	_ =	swait.ge [sflag:s23], $0x1  }
0xa4: {  	[sflag:s23] =	ssyncset.done $0x0  }
0xa5: {  	s25 =	simm.s32 $0x1B8E;
	s24 =	sld [smem:$0x3FFE];
	[sflag:s23] =	ssyncadd.s32 $0xFFFFFFFF  }
0xa6: {  	s26 =	simm.s32 $execute0_lowered;
	[smem:$0x3FD2] =	sst s25  }
0xa7: {  	s6 =	sshll.u32 s26, $0x1;
	_ =	strace $0x80000046;
	[dreg:$0x1] =	wrdreg $0xFFFFFFFF  }
0xa8: {  	s28 =	simm.s32 $_size_execute0_lowered;
	s4 =	sadd.s32 s4, s6;
	[dreg:$0x0] =	wrdreg $0x0  }
0xa9: {  	s6 =	sshll.u32 s28, $0x1;
	[dreg:$0x2] =	wrdreg s4  }
0xaa: {  	[dreg:$0x3] =	wrdreg s6  }
0xab: {  	[dreg:$0x4] =	wrdreg $0xC0  }
0xac: {  	_ =	task [dreg:s8], $0x5FFFF  }
0xad: {  	[dreg:$0x1] =	wrdreg $0xFFFFFFFF  }
0xae: {  	[dreg:$0x0] =	wrdreg $0x60  }
0xaf: {  	[dreg:$0x2] =	wrdreg s18  }
0xb0: {  	[dreg:$0x3] =	wrdreg s2  }
0xb1: {  	[dreg:$0x4] =	wrdreg s24  }
0xb2: {  	[dreg:$0x5] =	wrdreg $0x9  }
0xb3: {  	_ =	task.clear_ibuf [dreg:s8], $0x6FFFF;
	_ =	strace $0x90000046  }
0xb4: {  	s29 =	simm.s32 $0x9;
	_ =	strace $0x80000048  }
0xb5: {  	_ =	swait.ge [sflag:s29], $0x1  }
0xb6: {  	[sflag:s29] =	ssyncadd.s32 $0xFFFFFFFF  }
0xb7: {  	_ =	strace $0x90000048  }
0xb8: {  	_ =	sfence  }
0xb9: {  	s30 =	sld [smem:$0x0];
	_ =	sdelay $0x2  }
0xba: {  	s31 =	sshll.u32 s1, $0xD;
	s1 =	sshrl.u32 s1, $0x2  }
0xbb: {  	s3 =	sand.u32 $0x4000, s31;
	s1 =	sadd.s32 s1, s30  }
0xbc: {  	s0 =	sor.u32 s3, s0;
	s1 =	sshll.u32 s1, $0x11  }
0xbd: {  	s0 =	sor.u32 s1, s0  }
0xbe: {  	s0 =	sadd.s32 $0x8F2B, s0  }
0xbf: {  	[sflag:s0] =	ssyncadd.remote.s32 $0x1  }
0xc0: {  	_ =	sfence.sel $0xFFFF  }
0xc1: {  	[dreg:$0x0] =	wrdreg $0xFFFFFFFF;
	(pc) =	sbr.abs _section_cstart, $3  }
0xc2: {  	[dreg:$0x1] =	wrdreg $0xFFFFFFFF  }
0xc3: {  	_ =	task.clear_ibuf [dreg:s8], $0x2FFFF;
	_ =	strace $0x9FFFFFFF  }
0xc4: {  	(tm) =	ssettm $0x7FFFFFFF  }
0xc5: {  	_ =	shalt  }
tec
execute0_lowered:
.L_overlay_start_1:
0x0: {  	(tag) =	ssettag $0x1  }
0x1: {  	s0 =	rddreg [dreg:$0x0]  }
0x2: {  	s2 =	rddreg [dreg:$0x1]  }
0x3: {  	s1 =	rddreg [dreg:$0x2]  }
0x4: {  	s4 =	srdreg.scid;
	s10 =	stileid.u32  }
0x5: {  	s3 =	simm.s32 $0x0;
	s11 =	simm.s32 $0xF000;
	s12 =	simm.s32 $0x10000  }
0x6: {  	s13 =	simm.s32 $0x10800;
	s14 =	simm.s32 $0x11000;
	s15 =	simm.s32 $0x11800  }
0x7: {  	s16 =	simm.s32 $0x12000;
	s17 =	simm.s32 $0x13000;
	[smem:$0x7FF] =	sst s3  }
0x8: {  	s18 =	simm.s32 $0x13800;
	_ =	strace $0x80000047;
	[dreg:$0xc] =	wrdreg s11  }
0x9: {  	s19 =	simm.s32 $0x14000;
	s28 =	simm.s32 $0x9800;
	[dreg:$0xd] =	wrdreg s12  }
0xa: {  	s29 =	simm.s32 $0xC;
	s30 =	simm.s32 $0xD;
	[dreg:$0xe] =	wrdreg s13  }
0xb: {  	s31 =	simm.s32 $0xE;
	s4 =	sand.u32 $0x1, s4;
	[dreg:$0xf] =	wrdreg s14  }
0xc: {  	s5 =	smul.u32 $0x180000, s10;
	s1 =	sadd.s32 $0xC00, s1;
	[dreg:$0x10] =	wrdreg s15  }
0xd: {  	s20 =	sshll.u32 s10, $0x9;
	s10 =	smul.u32 $0x30000, s10;
	[dreg:$0x11] =	wrdreg s16  }
0xe: {  	s6 =	smul.u32 $0xC0000, s4;
	s7 =	ssub.s32 $0x2, s4;
	[dreg:$0x12] =	wrdreg s17  }
0xf: {  	s9 =	sshll.u32 s4, $0x8;
	s4 =	smul.u32 $0x18000, s4;
	[dreg:$0x13] =	wrdreg s18  }
0x10: {  	s15 =	simm.s32 $0x3800;
	[dreg:$0x14] =	wrdreg s19;
	s11 =	simm.s32 $0x1  }
0x11: {  	s12 =	simm.s32 $0xF800;
	s13 =	simm.s32 $0x2;
	s14 =	simm.s32 $0x12800  }
0x12: {  	s16 =	simm.s32 $0x3;
	s17 =	simm.s32 $0x15800;
	s18 =	simm.s32 $0x4  }
0x13: {  	s19 =	simm.s32 $0x5;
	s8 =	sshrl.u32 s7, $0x1;
	s22 =	sadd.s32 s10, s1  }
0x14: {  	s10 =	simm.s32 $0xE800;
	s5 =	sadd.s32 s6, s5;
	s7 =	ssub.s32 s7, s8  }
0x15: {  	s6 =	sor.u32 s9, s20;
	s4 =	sadd.s32 s4, s22;
	[dreg:$0xb] =	wrdreg s10  }
0x16: {  	s9 =	simm.s32 $0xE000;
	s20 =	simm.s32 $0x14800;
	[dreg:$0x5] =	wrdreg s4  }
0x17: {  	s22 =	simm.s32 $0x16000;
	s10 =	simm.s32 $0xC800;
	[dreg:$0xa] =	wrdreg s9  }
0x18: {  	s21 =	sor.u32 $0x9000, s5;
	s23 =	sor.u32 $0x15000, s5;
	[dreg:$0x15] =	wrdreg s20  }
0x19: {  	s5 =	sor.u32 $0x12000, s5;
	s0 =	sadd.s32 s0, s6;
	[dreg:$0x17] =	wrdreg s22  }
0x1a: {  	s6 =	sadd.s32 $0x200, s2;
	s4 =	simm.s32 $0xD800;
	[dreg:$0x1c] =	wrdreg s0  }
0x1b: {  	s8 =	sshrl.u32 s21, $0x3;
	[dreg:$0x9] =	wrdreg s4;
	s21 =	simm.s32 $0x15000  }
0x1c: {  	s24 =	sshrl.u32 s23, $0x3;
	s23 =	simm.s32 $0x16800;
	[dreg:$0x16] =	wrdreg s21  }
0x1d: {  	s9 =	simm.s32 $0x800;
	s8 =	sadd.s32 s8, s1;
	[dreg:$0x18] =	wrdreg s23  }
0x1e: {  	s5 =	sshrl.u32 s5, $0x3;
	s25 =	sadd.s32 s24, s1;
	[dreg:$0x4] =	wrdreg s8  }
0x1f: {  	s20 =	simm.s32 $0x6;
	s26 =	sadd.s32 s5, s1;
	[dreg:$0x6] =	wrdreg s25  }
0x20: {  	s22 =	simm.s32 $0x7;
	s1 =	simm.s32 $0xD000;
	[dreg:$0x7] =	wrdreg s26  }
0x21: {  	s0 =	simm.s32 $0xF;
	s24 =	simm.s32 $0x17000;
	[dreg:$0x8] =	wrdreg s1  }
0x22: {  	s4 =	simm.s32 $0x0;
	s8 =	smax.u32 s7, $0x1;
	[dreg:$0x19] =	wrdreg s24  }
0x23: {  	v2 =	vlaneseq.u32;
	s5 =	sadd.s32 $0x100, s2;
	s25 =	simm.s32 $0x17800;
	[dreg:$0x1d] =	wrdreg s8  }
0x24: {  	vm0 =	vmmov $0xffff;
	v1 =	vshrl.u32 v2, $0x3;
	s21 =	simm.s32 $0x6800;
	s26 =	simm.s32 $0x18000;
	[dreg:$0x1a] =	wrdreg s25  }
0x25: {  	v0 =	vand.u32 $0x7, v2;
	v2 =	vor.u32 $0x8, v2;
	v1 =	vmul.u32 $0x8, v1;
	s23 =	simm.s32 $0x8;
	s1 =	simm.s32 $0x10;
	[dreg:$0x1b] =	wrdreg s26  }
.LBB2_1:
0x26: {  	s7 =	rddreg [dreg:$0x1c];
	s26 =	simm.s32 $0x11  }
0x27: {  	[tilespmem:s3], [sflag:$0x11] =	stream.linear.gather [hbm4b:s7+s3], $0x800, $0x38;
	[tilespmem:$0x18800] =	vst v63  }
0x28: {  	_ =	swait.ge [sflag:s26], $0x800  }
0x29: {  	[sflag:s26] =	ssyncset.done $0x0  }
0x2a: {  	[sflag:s26] =	ssyncadd.s32 $0xFFFFF800  }
0x2b: {  	v3 =	vld [tilespmem:$0x0];
	_ =	sdelay $0x4  }
0x2c: {  	v4 =	vshrl.u32 v3, $0x3  }
0x2d: {  	v4 =	vmul.u32 $0x30, v4  }
0x2e: {  	v3 =	vand.u32 $0x7, v3  }
0x2f: {  	v3 =	vor.u32 v3, v4  }
0x30: {  	v4 =	vperm.xlane v3, v0;
	_ =	sdelay $0x1  }
0x31: {  	v4 =	vadd.s32 v1, v4;
	_ =	sdelay $0x3  }
0x32: {  	v3 =	vperm.xlane v3, v2  }
0x33: {  	[tilespmem:s9], [sflag:$0x1] =	stream.indirect_vreg.gather [hbm4b:s2+s3], $0x80, v4, vm0, $0xb8;
	[tilespmem:$0x18800] =	vst v63  }
0x34: {  	s8 =	simm.s32 $0x1000;
	v3 =	vadd.s32 v1, v3  }
0x35: {  	[tilespmem:s8], [sflag:$0x1] =	stream.indirect_vreg.gather [hbm4b:s5+s3], $0x80, v4, vm0, $0xb8;
	[tilespmem:$0x18800] =	vst v63  }
0x36: {  	s24 =	simm.s32 $0x1800  }
0x37: {  	[tilespmem:s24], [sflag:$0x1] =	stream.indirect_vreg.gather [hbm4b:s6+s3], $0x80, v4, vm0, $0xb8;
	[tilespmem:$0x18800] =	vst v63  }
0x38: {  	s25 =	simm.s32 $0x2000  }
0x39: {  	[tilespmem:s25], [sflag:$0x1] =	stream.indirect_vreg.gather [hbm4b:s2+s3], $0x80, v3, vm0, $0xb8;
	[tilespmem:$0x18800] =	vst v63  }
0x3a: {  	s26 =	simm.s32 $0x2800  }
0x3b: {  	[tilespmem:s26], [sflag:$0x1] =	stream.indirect_vreg.gather [hbm4b:s5+s3], $0x80, v3, vm0, $0xb8;
	[tilespmem:$0x18800] =	vst v63  }
0x3c: {  	s8 =	simm.s32 $0x3000  }
0x3d: {  	[tilespmem:s8], [sflag:$0x1] =	stream.indirect_vreg.gather [hbm4b:s6+s3], $0x80, v3, vm0, $0xb8;
	[tilespmem:$0x18800] =	vst v63  }
0x3e: {  	v3 =	vld [tilespmem:$0x10];
	_ =	sdelay $0x4  }
0x3f: {  	v61 =	vshrl.u32 v3, $0x3  }
0x40: {  	v4 =	vmul.u32 $0x30, v61  }
0x41: {  	v3 =	vand.u32 $0x7, v3  }
0x42: {  	v3 =	vor.u32 v3, v4  }
0x43: {  	v4 =	vperm.xlane v3, v0;
	_ =	sdelay $0x1  }
0x44: {  	v4 =	vadd.s32 v1, v4;
	_ =	sdelay $0x3  }
0x45: {  	v3 =	vperm.xlane v3, v2  }
0x46: {  	[tilespmem:s15], [sflag:$0x2] =	stream.indirect_vreg.gather [hbm4b:s2+s3], $0x80, v4, vm0, $0xb8;
	[tilespmem:$0x18800] =	vst v63  }
0x47: {  	s24 =	simm.s32 $0x4000;
	v3 =	vadd.s32 v1, v3  }
0x48: {  	[tilespmem:s24], [sflag:$0x2] =	stream.indirect_vreg.gather [hbm4b:s5+s3], $0x80, v4, vm0, $0xb8;
	[tilespmem:$0x18800] =	vst v63  }
0x49: {  	s25 =	simm.s32 $0x4800  }
0x4a: {  	[tilespmem:s25], [sflag:$0x2] =	stream.indirect_vreg.gather [hbm4b:s6+s3], $0x80, v4, vm0, $0xb8;
	[tilespmem:$0x18800] =	vst v63  }
0x4b: {  	s26 =	simm.s32 $0x5000  }
0x4c: {  	[tilespmem:s26], [sflag:$0x2] =	stream.indirect_vreg.gather [hbm4b:s2+s3], $0x80, v3, vm0, $0xb8;
	[tilespmem:$0x18800] =	vst v63  }
0x4d: {  	s8 =	simm.s32 $0x5800  }
0x4e: {  	[tilespmem:s8], [sflag:$0x2] =	stream.indirect_vreg.gather [hbm4b:s5+s3], $0x80, v3, vm0, $0xb8;
	[tilespmem:$0x18800] =	vst v63  }
0x4f: {  	s24 =	simm.s32 $0x6000  }
0x50: {  	[tilespmem:s24], [sflag:$0x2] =	stream.indirect_vreg.gather [hbm4b:s6+s3], $0x80, v3, vm0, $0xb8;
	[tilespmem:$0x18800] =	vst v63  }
0x51: {  	v3 =	vld [tilespmem:$0x20];
	_ =	sdelay $0x4  }
0x52: {  	v62 =	vshrl.u32 v3, $0x3  }
0x53: {  	v4 =	vmul.u32 $0x30, v62  }
0x54: {  	v3 =	vand.u32 $0x7, v3  }
0x55: {  	v3 =	vor.u32 v3, v4  }
0x56: {  	v4 =	vperm.xlane v3, v0;
	_ =	sdelay $0x1  }
0x57: {  	v4 =	vadd.s32 v1, v4;
	_ =	sdelay $0x3  }
0x58: {  	v3 =	vperm.xlane v3, v2  }
0x59: {  	[tilespmem:s21], [sflag:$0x3] =	stream.indirect_vreg.gather [hbm4b:s2+s3], $0x80, v4, vm0, $0xb8;
	[tilespmem:$0x18800] =	vst v63  }
0x5a: {  	s25 =	simm.s32 $0x7000;
	v3 =	vadd.s32 v1, v3  }
0x5b: {  	[tilespmem:s25], [sflag:$0x3] =	stream.indirect_vreg.gather [hbm4b:s5+s3], $0x80, v4, vm0, $0xb8;
	[tilespmem:$0x18800] =	vst v63  }
0x5c: {  	s26 =	simm.s32 $0x7800  }
0x5d: {  	[tilespmem:s26], [sflag:$0x3] =	stream.indirect_vreg.gather [hbm4b:s6+s3], $0x80, v4, vm0, $0xb8;
	[tilespmem:$0x18800] =	vst v63  }
0x5e: {  	s8 =	simm.s32 $0x8000  }
0x5f: {  	[tilespmem:s8], [sflag:$0x3] =	stream.indirect_vreg.gather [hbm4b:s2+s3], $0x80, v3, vm0, $0xb8;
	[tilespmem:$0x18800] =	vst v63  }
0x60: {  	s24 =	simm.s32 $0x8800  }
0x61: {  	[tilespmem:s24], [sflag:$0x3] =	stream.indirect_vreg.gather [hbm4b:s5+s3], $0x80, v3, vm0, $0xb8;
	[tilespmem:$0x18800] =	vst v63  }
0x62: {  	s25 =	simm.s32 $0x9000  }
0x63: {  	[tilespmem:s25], [sflag:$0x3] =	stream.indirect_vreg.gather [hbm4b:s6+s3], $0x80, v3, vm0, $0xb8;
	[tilespmem:$0x18800] =	vst v63  }
0x64: {  	v3 =	vld [tilespmem:$0x30];
	_ =	sdelay $0x4  }
0x65: {  	v63 =	vshrl.u32 v3, $0x3  }
0x66: {  	v4 =	vmul.u32 $0x30, v63  }
0x67: {  	v3 =	vand.u32 $0x7, v3  }
0x68: {  	v3 =	vor.u32 v3, v4  }
0x69: {  	v4 =	vperm.xlane v3, v0;
	_ =	sdelay $0x1  }
0x6a: {  	v4 =	vadd.s32 v1, v4;
	_ =	sdelay $0x3  }
0x6b: {  	v3 =	vperm.xlane v3, v2  }
0x6c: {  	[tilespmem:s28], [sflag:$0x4] =	stream.indirect_vreg.gather [hbm4b:s2+s3], $0x80, v4, vm0, $0xb8;
	[tilespmem:$0x18800] =	vst v63  }
0x6d: {  	s26 =	simm.s32 $0xA000;
	v3 =	vadd.s32 v1, v3  }
0x6e: {  	[tilespmem:s26], [sflag:$0x4] =	stream.indirect_vreg.gather [hbm4b:s5+s3], $0x80, v4, vm0, $0xb8;
	[tilespmem:$0x18800] =	vst v63  }
0x6f: {  	s8 =	simm.s32 $0xA800  }
0x70: {  	[tilespmem:s8], [sflag:$0x4] =	stream.indirect_vreg.gather [hbm4b:s6+s3], $0x80, v4, vm0, $0xb8;
	[tilespmem:$0x18800] =	vst v63  }
0x71: {  	s24 =	simm.s32 $0xB000  }
0x72: {  	[tilespmem:s24], [sflag:$0x4] =	stream.indirect_vreg.gather [hbm4b:s2+s3], $0x80, v3, vm0, $0xb8;
	[tilespmem:$0x18800] =	vst v63  }
0x73: {  	s25 =	simm.s32 $0xB800  }
0x74: {  	[tilespmem:s25], [sflag:$0x4] =	stream.indirect_vreg.gather [hbm4b:s5+s3], $0x80, v3, vm0, $0xb8;
	[tilespmem:$0x18800] =	vst v63  }
0x75: {  	s7 =	simm.s32 $0xA0;
	s26 =	simm.s32 $0xC000;
	s8 =	simm.s32 $0x0  }
0x76: {  	[tilespmem:s26], [sflag:$0x4] =	stream.indirect_vreg.gather [hbm4b:s6+s3], $0x80, v3, vm0, $0xb8;
	[tilespmem:$0x18800] =	vst v63  }
.LBB2_2:
0x77: {  	p0 =	seq.s32 s8, $0x0  }
0x78: {  	s24 =	simm.s32 @!p0 $0xD  }
0x79: {  	_ =	swait.ge @!p0 [sflag:s24], $0x3000  }
0x7a: {  	[sflag:s24] =	ssyncset.done @!p0 $0x0  }
0x7b: {  	[sflag:s24] =	ssyncadd.s32 @!p0 $0xFFFFD000  }
0x7c: {  	v3 =	vld [tilespmem:s7+$0xFFFFFFE0];
	_ =	sdelay $0x4  }
0x7d: {  	v4 =	vshrl.u32 v3, $0x3  }
0x7e: {  	v4 =	vmul.u32 $0x30, v4  }
0x7f: {  	v3 =	vand.u32 $0x7, v3  }
0x80: {  	v3 =	vor.u32 v3, v4  }
0x81: {  	v4 =	vperm.xlane v3, v0;
	_ =	sdelay $0x1  }
0x82: {  	v4 =	vadd.s32 v1, v4;
	_ =	sdelay $0x3  }
0x83: {  	v3 =	vperm.xlane v3, v2  }
0x84: {  	[tilespmem:s10], [sflag:$0x5] =	stream.indirect_vreg.gather [hbm4b:s2+s3], $0x80, v4, vm0, $0xb8;
	[tilespmem:$0x18800] =	vst v63  }
0x85: {  	s26 =	rddreg [dreg:$0x8];
	v3 =	vadd.s32 v1, v3  }
0x86: {  	[tilespmem:s26], [sflag:$0x5] =	stream.indirect_vreg.gather [hbm4b:s5+s3], $0x80, v4, vm0, $0xb8;
	[tilespmem:$0x18800] =	vst v63  }
0x87: {  	s25 =	rddreg [dreg:$0x9]  }
0x88: {  	[tilespmem:s25], [sflag:$0x5] =	stream.indirect_vreg.gather [hbm4b:s6+s3], $0x80, v4, vm0, $0xb8;
	[tilespmem:$0x18800] =	vst v63  }
0x89: {  	s26 =	rddreg [dreg:$0xa]  }
0x8a: {  	[tilespmem:s26], [sflag:$0x5] =	stream.indirect_vreg.gather [hbm4b:s2+s3], $0x80, v3, vm0, $0xb8;
	[tilespmem:$0x18800] =	vst v63  }
0x8b: {  	s25 =	rddreg [dreg:$0xb]  }
0x8c: {  	[tilespmem:s25], [sflag:$0x5] =	stream.indirect_vreg.gather [hbm4b:s5+s3], $0x80, v3, vm0, $0xb8;
	[tilespmem:$0x18800] =	vst v63  }
0x8d: {  	s26 =	rddreg [dreg:$0xc]  }
0x8e: {  	[tilespmem:s26], [sflag:$0x5] =	stream.indirect_vreg.gather [hbm4b:s6+s3], $0x80, v3, vm0, $0xb8;
	[tilespmem:$0x18800] =	vst v63  }
0x8f: {  	_ =	swait.ge [sflag:s11], $0x3000  }
0x90: {  	s25 =	rddreg [dreg:$0x5];
	[sflag:s11] =	ssyncset.done $0x0  }
0x91: {  	[sflag:s11] =	ssyncadd.s32 $0xFFFFD000;
	s24 =	sadd.s32 s8, s25;
	s25 =	simm.s32 @!p0 $0xE  }
0x92: {  	[hbm4b:s24+s3] =	stream.linear.scatter [tilespmem:s9], [sflag:$0x9], $0x3000, $0x38;
	[tilespmem:$0x18800] =	vst v63  }
0x93: {  	_ =	swait.ge @!p0 [sflag:s25], $0x3000  }
0x94: {  	[sflag:s25] =	ssyncset.done @!p0 $0x0  }
0x95: {  	[sflag:s25] =	ssyncadd.s32 @!p0 $0xFFFFD000  }
0x96: {  	v3 =	vld [tilespmem:s7+$0xFFFFFFF0];
	_ =	sdelay $0x4  }
0x97: {  	v61 =	vshrl.u32 v3, $0x3  }
0x98: {  	v4 =	vmul.u32 $0x30, v61  }
0x99: {  	v3 =	vand.u32 $0x7, v3  }
0x9a: {  	v3 =	vor.u32 v3, v4  }
0x9b: {  	v4 =	vperm.xlane v3, v0;
	_ =	sdelay $0x1  }
0x9c: {  	v4 =	vadd.s32 v1, v4;
	_ =	sdelay $0x3  }
0x9d: {  	v3 =	vperm.xlane v3, v2  }
0x9e: {  	[tilespmem:s12], [sflag:$0x6] =	stream.indirect_vreg.gather [hbm4b:s2+s3], $0x80, v4, vm0, $0xb8;
	[tilespmem:$0x18800] =	vst v63  }
0x9f: {  	s25 =	rddreg [dreg:$0xd];
	v3 =	vadd.s32 v1, v3  }
0xa0: {  	[tilespmem:s25], [sflag:$0x6] =	stream.indirect_vreg.gather [hbm4b:s5+s3], $0x80, v4, vm0, $0xb8;
	[tilespmem:$0x18800] =	vst v63  }
0xa1: {  	s26 =	rddreg [dreg:$0xe]  }
0xa2: {  	[tilespmem:s26], [sflag:$0x6] =	stream.indirect_vreg.gather [hbm4b:s6+s3], $0x80, v4, vm0, $0xb8;
	[tilespmem:$0x18800] =	vst v63  }
0xa3: {  	s25 =	rddreg [dreg:$0xf]  }
0xa4: {  	[tilespmem:s25], [sflag:$0x6] =	stream.indirect_vreg.gather [hbm4b:s2+s3], $0x80, v3, vm0, $0xb8;
	[tilespmem:$0x18800] =	vst v63  }
0xa5: {  	s26 =	rddreg [dreg:$0x10]  }
0xa6: {  	[tilespmem:s26], [sflag:$0x6] =	stream.indirect_vreg.gather [hbm4b:s5+s3], $0x80, v3, vm0, $0xb8;
	[tilespmem:$0x18800] =	vst v63  }
0xa7: {  	s25 =	rddreg [dreg:$0x11]  }
0xa8: {  	[tilespmem:s25], [sflag:$0x6] =	stream.indirect_vreg.gather [hbm4b:s6+s3], $0x80, v3, vm0, $0xb8;
	[tilespmem:$0x18800] =	vst v63  }
0xa9: {  	_ =	swait.ge [sflag:s13], $0x3000  }
0xaa: {  	[sflag:s13] =	ssyncset.done $0x0  }
0xab: {  	s26 =	sadd.s32 $0x600, s24;
	s25 =	simm.s32 @!p0 $0xF;
	[sflag:s13] =	ssyncadd.s32 $0xFFFFD000  }
0xac: {  	[hbm4b:s26+s3] =	stream.linear.scatter [tilespmem:s15], [sflag:$0xA], $0x3000, $0x38;
	[tilespmem:$0x18800] =	vst v63  }
0xad: {  	_ =	swait.ge @!p0 [sflag:s25], $0x3000  }
0xae: {  	[sflag:s25] =	ssyncset.done @!p0 $0x0  }
0xaf: {  	[sflag:s25] =	ssyncadd.s32 @!p0 $0xFFFFD000  }
0xb0: {  	v3 =	vld [tilespmem:s7+$0x0];
	_ =	sdelay $0x4  }
0xb1: {  	v62 =	vshrl.u32 v3, $0x3  }
0xb2: {  	v4 =	vmul.u32 $0x30, v62  }
0xb3: {  	v3 =	vand.u32 $0x7, v3  }
0xb4: {  	v3 =	vor.u32 v3, v4  }
0xb5: {  	v4 =	vperm.xlane v3, v0;
	_ =	sdelay $0x1  }
0xb6: {  	v4 =	vadd.s32 v1, v4;
	_ =	sdelay $0x3  }
0xb7: {  	v3 =	vperm.xlane v3, v2  }
0xb8: {  	[tilespmem:s14], [sflag:$0x7] =	stream.indirect_vreg.gather [hbm4b:s2+s3], $0x80, v4, vm0, $0xb8;
	[tilespmem:$0x18800] =	vst v63  }
0xb9: {  	s25 =	rddreg [dreg:$0x12];
	v3 =	vadd.s32 v1, v3  }
0xba: {  	[tilespmem:s25], [sflag:$0x7] =	stream.indirect_vreg.gather [hbm4b:s5+s3], $0x80, v4, vm0, $0xb8;
	[tilespmem:$0x18800] =	vst v63  }
0xbb: {  	s26 =	rddreg [dreg:$0x13]  }
0xbc: {  	[tilespmem:s26], [sflag:$0x7] =	stream.indirect_vreg.gather [hbm4b:s6+s3], $0x80, v4, vm0, $0xb8;
	[tilespmem:$0x18800] =	vst v63  }
0xbd: {  	s25 =	rddreg [dreg:$0x14]  }
0xbe: {  	[tilespmem:s25], [sflag:$0x7] =	stream.indirect_vreg.gather [hbm4b:s2+s3], $0x80, v3, vm0, $0xb8;
	[tilespmem:$0x18800] =	vst v63  }
0xbf: {  	s26 =	rddreg [dreg:$0x15]  }
0xc0: {  	[tilespmem:s26], [sflag:$0x7] =	stream.indirect_vreg.gather [hbm4b:s5+s3], $0x80, v3, vm0, $0xb8;
	[tilespmem:$0x18800] =	vst v63  }
0xc1: {  	s25 =	rddreg [dreg:$0x16]  }
0xc2: {  	[tilespmem:s25], [sflag:$0x7] =	stream.indirect_vreg.gather [hbm4b:s6+s3], $0x80, v3, vm0, $0xb8;
	[tilespmem:$0x18800] =	vst v63  }
0xc3: {  	_ =	swait.ge [sflag:s16], $0x3000  }
0xc4: {  	[sflag:s16] =	ssyncset.done $0x0  }
0xc5: {  	s26 =	sadd.s32 $0xC00, s24;
	s25 =	simm.s32 @!p0 $0x10;
	[sflag:s16] =	ssyncadd.s32 $0xFFFFD000  }
0xc6: {  	[hbm4b:s26+s3] =	stream.linear.scatter [tilespmem:s21], [sflag:$0xB], $0x3000, $0x38;
	[tilespmem:$0x18800] =	vst v63  }
0xc7: {  	_ =	swait.ge @!p0 [sflag:s25], $0x3000  }
0xc8: {  	[sflag:s25] =	ssyncset.done @!p0 $0x0  }
0xc9: {  	[sflag:s25] =	ssyncadd.s32 @!p0 $0xFFFFD000  }
0xca: {  	v3 =	vld [tilespmem:s7+$0x10];
	_ =	sdelay $0x4  }
0xcb: {  	v63 =	vshrl.u32 v3, $0x3  }
0xcc: {  	v4 =	vmul.u32 $0x30, v63  }
0xcd: {  	v3 =	vand.u32 $0x7, v3  }
0xce: {  	v3 =	vor.u32 v3, v4  }
0xcf: {  	v4 =	vperm.xlane v3, v0;
	_ =	sdelay $0x1  }
0xd0: {  	v4 =	vadd.s32 v1, v4;
	_ =	sdelay $0x3  }
0xd1: {  	v3 =	vperm.xlane v3, v2  }
0xd2: {  	[tilespmem:s17], [sflag:$0x8] =	stream.indirect_vreg.gather [hbm4b:s2+s3], $0x80, v4, vm0, $0xb8;
	[tilespmem:$0x18800] =	vst v63  }
0xd3: {  	s25 =	rddreg [dreg:$0x17];
	v3 =	vadd.s32 v1, v3  }
0xd4: {  	[tilespmem:s25], [sflag:$0x8] =	stream.indirect_vreg.gather [hbm4b:s5+s3], $0x80, v4, vm0, $0xb8;
	[tilespmem:$0x18800] =	vst v63  }
0xd5: {  	s26 =	rddreg [dreg:$0x18]  }
0xd6: {  	[tilespmem:s26], [sflag:$0x8] =	stream.indirect_vreg.gather [hbm4b:s6+s3], $0x80, v4, vm0, $0xb8;
	[tilespmem:$0x18800] =	vst v63  }
0xd7: {  	s25 =	rddreg [dreg:$0x19]  }
0xd8: {  	[tilespmem:s25], [sflag:$0x8] =	stream.indirect_vreg.gather [hbm4b:s2+s3], $0x80, v3, vm0, $0xb8;
	[tilespmem:$0x18800] =	vst v63  }
0xd9: {  	s26 =	rddreg [dreg:$0x1a]  }
0xda: {  	[tilespmem:s26], [sflag:$0x8] =	stream.indirect_vreg.gather [hbm4b:s5+s3], $0x80, v3, vm0, $0xb8;
	[tilespmem:$0x18800] =	vst v63  }
0xdb: {  	s25 =	rddreg [dreg:$0x1b]  }
0xdc: {  	[tilespmem:s25], [sflag:$0x8] =	stream.indirect_vreg.gather [hbm4b:s6+s3], $0x80, v3, vm0, $0xb8;
	[tilespmem:$0x18800] =	vst v63  }
0xdd: {  	_ =	swait.ge [sflag:s18], $0x3000  }
0xde: {  	s26 =	rddreg [dreg:$0x4];
	[sflag:s18] =	ssyncset.done $0x0  }
0xdf: {  	p0 =	seq.s32 s8, $0x15000;
	[sflag:s18] =	ssyncadd.s32 $0xFFFFD000;
	s25 =	sadd.s32 s8, s26  }
0xe0: {  	[hbm4b:s25+s3] =	stream.linear.scatter [tilespmem:s28], [sflag:$0xC], $0x3000, $0x38;
	[tilespmem:$0x18800] =	vst v63  }
0xe1: {  	s25 =	simm.s32 @!p0 $0x9  }
0xe2: {  	_ =	swait.ge @!p0 [sflag:s25], $0x3000  }
0xe3: {  	[sflag:s25] =	ssyncset.done @!p0 $0x0  }
0xe4: {  	[sflag:s25] =	ssyncadd.s32 @!p0 $0xFFFFD000  }
0xe5: {  	v3 =	vld @!p0 [tilespmem:s7+$0x60];
	_ =	sdelay $0x4  }
0xe6: {  	v4 =	vshrl.u32 @!p0 v3, $0x3  }
0xe7: {  	v4 =	vmul.u32 @!p0 $0x30, v4  }
0xe8: {  	v5 =	vlaneseq.u32 @!p0;
	v3 =	vand.u32 @!p0 $0x7, v3  }
0xe9: {  	v6 =	vshrl.u32 @!p0 v5, $0x3;
	v3 =	vor.u32 @!p0 v3, v4;
	v4 =	vand.u32 @!p0 $0x7, v5  }
0xea: {  	v6 =	vmul.u32 @!p0 $0x8, v6;
	v7 =	vperm.xlane @!p0 v3, v4;
	_ =	sdelay $0x1  }
0xeb: {  	v7 =	vadd.s32 @!p0 v6, v7;
	_ =	sdelay $0x2  }
0xec: {  	v5 =	vor.u32 @!p0 $0x8, v5  }
0xed: {  	vm1 =	vmmov @!p0 $0xffff;
	s26 =	simm.s32 @!p0 $0x800;
	s25 =	simm.s32 @!p0 $0x0;
	v3 =	vperm.xlane @!p0 v3, v5  }
0xee: {  	[tilespmem:s26], [sflag:$0x1] =	stream.indirect_vreg.gather @!p0 [hbm4b:s2+s25], $0x80, v7, vm1, $0xb8;
	[tilespmem:$0x18800] =	vst v63  }
0xef: {  	v3 =	vadd.s32 @!p0 v6, v3;
	s26 =	simm.s32 @!p0 $0x1000  }
0xf0: {  	[tilespmem:s26], [sflag:$0x1] =	stream.indirect_vreg.gather @!p0 [hbm4b:s5+s25], $0x80, v7, vm1, $0xb8;
	[tilespmem:$0x18800] =	vst v63  }
0xf1: {  	s26 =	simm.s32 @!p0 $0x1800  }
0xf2: {  	[tilespmem:s26], [sflag:$0x1] =	stream.indirect_vreg.gather @!p0 [hbm4b:s6+s25], $0x80, v7, vm1, $0xb8;
	[tilespmem:$0x18800] =	vst v63  }
0xf3: {  	s26 =	simm.s32 @!p0 $0x2000  }
0xf4: {  	[tilespmem:s26], [sflag:$0x1] =	stream.indirect_vreg.gather @!p0 [hbm4b:s2+s25], $0x80, v3, vm1, $0xb8;
	[tilespmem:$0x18800] =	vst v63  }
0xf5: {  	s26 =	simm.s32 @!p0 $0x2800  }
0xf6: {  	[tilespmem:s26], [sflag:$0x1] =	stream.indirect_vreg.gather @!p0 [hbm4b:s5+s25], $0x80, v3, vm1, $0xb8;
	[tilespmem:$0x18800] =	vst v63  }
0xf7: {  	s26 =	simm.s32 @!p0 $0x3000  }
0xf8: {  	[tilespmem:s26], [sflag:$0x1] =	stream.indirect_vreg.gather @!p0 [hbm4b:s6+s25], $0x80, v3, vm1, $0xb8;
	[tilespmem:$0x18800] =	vst v63  }
0xf9: {  	_ =	swait.ge [sflag:s19], $0x3000  }
0xfa: {  	[sflag:s19] =	ssyncset.done $0x0  }
0xfb: {  	s26 =	sadd.s32 $0x1800, s24;
	[sflag:s19] =	ssyncadd.s32 $0xFFFFD000  }
0xfc: {  	[hbm4b:s26+s3] =	stream.linear.scatter [tilespmem:s10], [sflag:$0xD], $0x3000, $0x38;
	[tilespmem:$0x18800] =	vst v63  }
0xfd: {  	s26 =	simm.s32 @!p0 $0xA  }
0xfe: {  	_ =	swait.ge @!p0 [sflag:s26], $0x3000  }
0xff: {  	[sflag:s26] =	ssyncset.done @!p0 $0x0  }
0x100: {  	[sflag:s26] =	ssyncadd.s32 @!p0 $0xFFFFD000  }
0x101: {  	v3 =	vld @!p0 [tilespmem:s7+$0x70];
	_ =	sdelay $0x4  }
0x102: {  	v7 =	vshrl.u32 @!p0 v3, $0x3  }
0x103: {  	v7 =	vmul.u32 @!p0 $0x30, v7  }
0x104: {  	v3 =	vand.u32 @!p0 $0x7, v3  }
0x105: {  	v3 =	vor.u32 @!p0 v3, v7  }
0x106: {  	v7 =	vperm.xlane @!p0 v3, v4;
	_ =	sdelay $0x1  }
0x107: {  	v7 =	vadd.s32 @!p0 v6, v7;
	_ =	sdelay $0x3  }
0x108: {  	s26 =	simm.s32 @!p0 $0x3800;
	v3 =	vperm.xlane @!p0 v3, v5  }
0x109: {  	[tilespmem:s26], [sflag:$0x2] =	stream.indirect_vreg.gather @!p0 [hbm4b:s2+s25], $0x80, v7, vm1, $0xb8;
	[tilespmem:$0x18800] =	vst v63  }
0x10a: {  	v3 =	vadd.s32 @!p0 v6, v3;
	s26 =	simm.s32 @!p0 $0x4000  }
0x10b: {  	[tilespmem:s26], [sflag:$0x2] =	stream.indirect_vreg.gather @!p0 [hbm4b:s5+s25], $0x80, v7, vm1, $0xb8;
	[tilespmem:$0x18800] =	vst v63  }
0x10c: {  	s26 =	simm.s32 @!p0 $0x4800  }
0x10d: {  	[tilespmem:s26], [sflag:$0x2] =	stream.indirect_vreg.gather @!p0 [hbm4b:s6+s25], $0x80, v7, vm1, $0xb8;
	[tilespmem:$0x18800] =	vst v63  }
0x10e: {  	s26 =	simm.s32 @!p0 $0x5000  }
0x10f: {  	[tilespmem:s26], [sflag:$0x2] =	stream.indirect_vreg.gather @!p0 [hbm4b:s2+s25], $0x80, v3, vm1, $0xb8;
	[tilespmem:$0x18800] =	vst v63  }
0x110: {  	s26 =	simm.s32 @!p0 $0x5800  }
0x111: {  	[tilespmem:s26], [sflag:$0x2] =	stream.indirect_vreg.gather @!p0 [hbm4b:s5+s25], $0x80, v3, vm1, $0xb8;
	[tilespmem:$0x18800] =	vst v63  }
0x112: {  	s26 =	simm.s32 @!p0 $0x6000  }
0x113: {  	[tilespmem:s26], [sflag:$0x2] =	stream.indirect_vreg.gather @!p0 [hbm4b:s6+s25], $0x80, v3, vm1, $0xb8;
	[tilespmem:$0x18800] =	vst v63  }
0x114: {  	_ =	swait.ge [sflag:s20], $0x3000  }
0x115: {  	[sflag:s20] =	ssyncset.done $0x0  }
0x116: {  	s24 =	sadd.s32 $0x1E00, s24;
	[sflag:s20] =	ssyncadd.s32 $0xFFFFD000  }
0x117: {  	[hbm4b:s24+s3] =	stream.linear.scatter [tilespmem:s12], [sflag:$0xE], $0x3000, $0x38;
	[tilespmem:$0x18800] =	vst v63  }
0x118: {  	s24 =	simm.s32 @!p0 $0xB  }
0x119: {  	_ =	swait.ge @!p0 [sflag:s24], $0x3000  }
0x11a: {  	[sflag:s24] =	ssyncset.done @!p0 $0x0  }
0x11b: {  	[sflag:s24] =	ssyncadd.s32 @!p0 $0xFFFFD000  }
0x11c: {  	v3 =	vld @!p0 [tilespmem:s7+$0x80];
	_ =	sdelay $0x4  }
0x11d: {  	v7 =	vshrl.u32 @!p0 v3, $0x3  }
0x11e: {  	v7 =	vmul.u32 @!p0 $0x30, v7  }
0x11f: {  	v3 =	vand.u32 @!p0 $0x7, v3  }
0x120: {  	v3 =	vor.u32 @!p0 v3, v7  }
0x121: {  	v7 =	vperm.xlane @!p0 v3, v4;
	_ =	sdelay $0x1  }
0x122: {  	v7 =	vadd.s32 @!p0 v6, v7;
	_ =	sdelay $0x3  }
0x123: {  	s24 =	simm.s32 @!p0 $0x6800;
	v3 =	vperm.xlane @!p0 v3, v5  }
0x124: {  	[tilespmem:s24], [sflag:$0x3] =	stream.indirect_vreg.gather @!p0 [hbm4b:s2+s25], $0x80, v7, vm1, $0xb8;
	[tilespmem:$0x18800] =	vst v63  }
0x125: {  	v3 =	vadd.s32 @!p0 v6, v3;
	s24 =	simm.s32 @!p0 $0x7000  }
0x126: {  	[tilespmem:s24], [sflag:$0x3] =	stream.indirect_vreg.gather @!p0 [hbm4b:s5+s25], $0x80, v7, vm1, $0xb8;
	[tilespmem:$0x18800] =	vst v63  }
0x127: {  	s24 =	simm.s32 @!p0 $0x7800  }
0x128: {  	[tilespmem:s24], [sflag:$0x3] =	stream.indirect_vreg.gather @!p0 [hbm4b:s6+s25], $0x80, v7, vm1, $0xb8;
	[tilespmem:$0x18800] =	vst v63  }
0x129: {  	s24 =	simm.s32 @!p0 $0x8000  }
0x12a: {  	[tilespmem:s24], [sflag:$0x3] =	stream.indirect_vreg.gather @!p0 [hbm4b:s2+s25], $0x80, v3, vm1, $0xb8;
	[tilespmem:$0x18800] =	vst v63  }
0x12b: {  	s24 =	simm.s32 @!p0 $0x8800  }
0x12c: {  	[tilespmem:s24], [sflag:$0x3] =	stream.indirect_vreg.gather @!p0 [hbm4b:s5+s25], $0x80, v3, vm1, $0xb8;
	[tilespmem:$0x18800] =	vst v63  }
0x12d: {  	s24 =	simm.s32 @!p0 $0x9000  }
0x12e: {  	[tilespmem:s24], [sflag:$0x3] =	stream.indirect_vreg.gather @!p0 [hbm4b:s6+s25], $0x80, v3, vm1, $0xb8;
	[tilespmem:$0x18800] =	vst v63  }
0x12f: {  	_ =	swait.ge [sflag:s22], $0x3000  }
0x130: {  	s26 =	rddreg [dreg:$0x7];
	[sflag:s22] =	ssyncset.done $0x0  }
0x131: {  	[sflag:s22] =	ssyncadd.s32 $0xFFFFD000;
	s24 =	sadd.s32 s8, s26  }
0x132: {  	[hbm4b:s24+s3] =	stream.linear.scatter [tilespmem:s14], [sflag:$0xF], $0x3000, $0x38;
	[tilespmem:$0x18800] =	vst v63  }
0x133: {  	s24 =	simm.s32 @!p0 $0xC  }
0x134: {  	_ =	swait.ge @!p0 [sflag:s24], $0x3000  }
0x135: {  	[sflag:s24] =	ssyncset.done @!p0 $0x0  }
0x136: {  	[sflag:s24] =	ssyncadd.s32 @!p0 $0xFFFFD000  }
0x137: {  	v3 =	vld @!p0 [tilespmem:s7+$0x90];
	_ =	sdelay $0x4  }
0x138: {  	v7 =	vshrl.u32 @!p0 v3, $0x3  }
0x139: {  	v7 =	vmul.u32 @!p0 $0x30, v7  }
0x13a: {  	v3 =	vand.u32 @!p0 $0x7, v3  }
0x13b: {  	v3 =	vor.u32 @!p0 v3, v7  }
0x13c: {  	v4 =	vperm.xlane @!p0 v3, v4;
	_ =	sdelay $0x1  }
0x13d: {  	v4 =	vadd.s32 @!p0 v6, v4;
	_ =	sdelay $0x3  }
0x13e: {  	s24 =	simm.s32 @!p0 $0x9800;
	v3 =	vperm.xlane @!p0 v3, v5  }
0x13f: {  	[tilespmem:s24], [sflag:$0x4] =	stream.indirect_vreg.gather @!p0 [hbm4b:s2+s25], $0x80, v4, vm1, $0xb8;
	[tilespmem:$0x18800] =	vst v63  }
0x140: {  	v3 =	vadd.s32 @!p0 v6, v3;
	s24 =	simm.s32 @!p0 $0xA000  }
0x141: {  	[tilespmem:s24], [sflag:$0x4] =	stream.indirect_vreg.gather @!p0 [hbm4b:s5+s25], $0x80, v4, vm1, $0xb8;
	[tilespmem:$0x18800] =	vst v63  }
0x142: {  	s24 =	simm.s32 @!p0 $0xA800  }
0x143: {  	[tilespmem:s24], [sflag:$0x4] =	stream.indirect_vreg.gather @!p0 [hbm4b:s6+s25], $0x80, v4, vm1, $0xb8;
	[tilespmem:$0x18800] =	vst v63  }
0x144: {  	s24 =	simm.s32 @!p0 $0xB000  }
0x145: {  	[tilespmem:s24], [sflag:$0x4] =	stream.indirect_vreg.gather @!p0 [hbm4b:s2+s25], $0x80, v3, vm1, $0xb8;
	[tilespmem:$0x18800] =	vst v63  }
0x146: {  	s24 =	simm.s32 @!p0 $0xB800  }
0x147: {  	[tilespmem:s24], [sflag:$0x4] =	stream.indirect_vreg.gather @!p0 [hbm4b:s5+s25], $0x80, v3, vm1, $0xb8;
	[tilespmem:$0x18800] =	vst v63  }
0x148: {  	s24 =	simm.s32 @!p0 $0xC000  }
0x149: {  	[tilespmem:s24], [sflag:$0x4] =	stream.indirect_vreg.gather @!p0 [hbm4b:s6+s25], $0x80, v3, vm1, $0xb8;
	[tilespmem:$0x18800] =	vst v63  }
0x14a: {  	_ =	swait.ge [sflag:s23], $0x3000  }
0x14b: {  	s26 =	rddreg [dreg:$0x6]  }
0x14c: {  	s24 =	sadd.s32 s8, s26;
	s8 =	sadd.s32 $0x3000, s8  }
0x14d: {  	p0 =	sne.s32 s8, $0x18000  }
.Ltmp0:
0x14e: {  	_ = 	snop;
	(pc) =	sbr.rel @p0 .LBB2_2-.Ltmp0, $4  }
0x14f: {  	_ = 	snop  }
0x150: {  	[sflag:s23] =	ssyncset.done $0x0  }
0x151: {  	s7 =	sadd.s32 $0x100, s7;
	[sflag:s23] =	ssyncadd.s32 $0xFFFFD000  }
0x152: {  	[hbm4b:s24+s3] =	stream.linear.scatter [tilespmem:s17], [sflag:$0x10], $0x3000, $0x38;
	[tilespmem:$0x18800] =	vst v63  }
0x153: {  	s7 =	simm.s32 $0x9  }
0x154: {  	_ =	swait.ge [sflag:s7], $0x3000  }
0x155: {  	[sflag:s7] =	ssyncset.done $0x0  }
0x156: {  	s24 =	simm.s32 $0xA;
	[sflag:s7] =	ssyncadd.s32 $0xFFFFD000  }
0x157: {  	_ =	swait.ge [sflag:s24], $0x3000  }
0x158: {  	[sflag:s24] =	ssyncset.done $0x0  }
0x159: {  	s25 =	simm.s32 $0xB;
	[sflag:s24] =	ssyncadd.s32 $0xFFFFD000  }
0x15a: {  	_ =	swait.ge [sflag:s25], $0x3000  }
0x15b: {  	[sflag:s25] =	ssyncset.done $0x0  }
0x15c: {  	[sflag:s25] =	ssyncadd.s32 $0xFFFFD000  }
0x15d: {  	_ =	swait.ge [sflag:s29], $0x3000  }
0x15e: {  	[sflag:s29] =	ssyncset.done $0x0  }
0x15f: {  	[sflag:s29] =	ssyncadd.s32 $0xFFFFD000  }
0x160: {  	_ =	swait.ge [sflag:s30], $0x3000  }
0x161: {  	[sflag:s30] =	ssyncset.done $0x0  }
0x162: {  	[sflag:s30] =	ssyncadd.s32 $0xFFFFD000  }
0x163: {  	_ =	swait.ge [sflag:s31], $0x3000  }
0x164: {  	[sflag:s31] =	ssyncset.done $0x0  }
0x165: {  	[sflag:s31] =	ssyncadd.s32 $0xFFFFD000  }
0x166: {  	_ =	swait.ge [sflag:s0], $0x3000  }
0x167: {  	[sflag:s0] =	ssyncset.done $0x0  }
0x168: {  	[sflag:s0] =	ssyncadd.s32 $0xFFFFD000  }
0x169: {  	_ =	swait.ge [sflag:s1], $0x3000  }
0x16a: {  	s4 =	sadd.s32 $0x1, s4;
	s26 =	rddreg [dreg:$0x1d]  }
0x16b: {  	p0 =	sne.s32 s4, s26  }
.Ltmp1:
0x16c: {  	_ = 	snop;
	(pc) =	sbr.rel @p0 .LBB2_1-.Ltmp1, $3  }
0x16d: {  	_ =	sdelay $0x1  }
0x16e: {  	[sflag:s1] =	ssyncset.done $0x0  }
0x16f: {  	[sflag:s1] =	ssyncadd.s32 $0xFFFFD000  }
0x170: {  	_ =	sfence.sel $0x180000  }
0x171: {  	[bflag:$0x0] =	sbarrier.arrive $0xFFFF  }
0x172: {  	_ =	strace $0x90000047  }
0x173: {  	s0 =	stileid.u32;
	[bflag:$0x2] =	sbarrier.arrive $0xFFFF  }
0x174: {  	p0 =	sne.s32 s0, $0x0;
	s0 =	rddreg [dreg:$0x3]  }
0x175: {  	s0 =	sadd.s32 @!p0 $0x100000, s0  }
0x176: {  	[sflag:s0] =	ssyncadd.tile.s32 @!p0 $0x1;
	_ =	shalt  }
.Lfunc_end2:
_tile_overlayer_lowered:
.L_overlay_start_2:
0x177: {  	(tag) =	ssettag $0x2  }
0x178: {  	s0 =	rddreg [dreg:$0x0];
	s2 =	stileid.u32  }
0x179: {  	s1 =	rddreg [dreg:$0x1];
	p0 =	sne.s32 s2, $0x0  }
0x17a: {  	s3 =	rddreg [dreg:$0x2];
	[bflag:$0x3] =	sbarrier.arrive $0xFFFF;
	s2 =	simm.s32 @!p0 $0x1C11  }
0x17b: {  	[timem:s3], [sflag:s2] =	dma.local @!p0 [hbm:s0], s1  }
0x17c: {  	s0 =	simm.s32 @!p0 $0x11  }
0x17d: {  	_ =	swait.ge @!p0 [sflag:s0], s1  }
0x17e: {  	s1 =	ssub.s32 @!p0 $0x0, s1;
	[sflag:s0] =	ssyncset.done @!p0 $0x0  }
0x17f: {  	[sflag:s0] =	ssyncadd.s32 @!p0 s1  }
0x180: {  	[bflag:$0x3] =	sbarrier.arrive $0xFFFF  }
0x181: {  	_ =	shalt  }

</sc_bundles>
